<compile_context>
chip_gen: v7x
topology: tpu7x:2x2x1
jax: 0.10.2.dev20260603
libtpu: 0.0.44.dev20260713+nightly
codegen_flags: <defaults>
</compile_context>

<pallas_src>
import jax
import jax.numpy as jnp
from jax import lax
from jax.experimental import pallas as pl
from jax.experimental.pallas import tpu as pltpu
from jax.experimental.pallas import tpu_sc as plsc

N_NODES = 100000
B = 625000
D = 128
LANES = 16

NC = 2
NS = 16
NW = NC * NS

C = 120
NBUF = 4
PIPE = 2

GROUPS = B // 8
GPW_BASE = GROUPS // NW
GPW_REM = GROUPS - GPW_BASE * NW
N_MAX = 8 * (GPW_BASE + 1)
N_CHUNKS = NBUF * (-(-(-(-N_MAX // C)) // NBUF))
N_OUTER = N_CHUNKS // NBUF


def _sc_body(idx_hbm, feat_hbm, mem_hbm, out_hbm, *scratch):
    idx_v = scratch[0:NBUF]
    rows_v = scratch[NBUF:2 * NBUF]
    feat_v = scratch[2 * NBUF:3 * NBUF]
    sem_idx = scratch[3 * NBUF:4 * NBUF]
    sem_gat = scratch[4 * NBUF:5 * NBUF]
    sem_fea = scratch[5 * NBUF:6 * NBUF]
    sem_out = scratch[6 * NBUF:7 * NBUF]

    wid = lax.axis_index("s") * NC + lax.axis_index("c")
    extra = jnp.minimum(wid, GPW_REM)
    start = 8 * (wid * GPW_BASE + extra)
    n_rows = 8 * (GPW_BASE + jnp.where(wid < GPW_REM, 1, 0))

    def base(c):
        return start + jnp.minimum(c * C, n_rows - C)

    def fire_idx(c, b):
        pltpu.async_copy(idx_hbm.at[pl.ds(base(c), C)], idx_v[b], sem_idx[b])

    def fire_fetch(c, b):
        pltpu.async_copy(feat_hbm.at[pl.ds(base(c), C), :], rows_v[b], sem_gat[b])
        pltpu.async_copy(feat_hbm.at[pl.ds(base(c), C), :], feat_v[b],
                         sem_fea[b])

    def wait(src, dst, sem):
        pltpu.make_async_copy(src, dst, sem).wait()

    for c in range(PIPE + 1):
        fire_idx(c, c)
    for c in range(PIPE):
        wait(idx_hbm.at[pl.ds(base(c), C)], idx_v[c], sem_idx[c])
        fire_fetch(c, c)

    def outer(g, _):
        for b in range(NBUF):
            c = g * NBUF + b

            @pl.when(c + PIPE + 1 < N_CHUNKS)
            def _():
                fire_idx(c + PIPE + 1, (b + PIPE + 1) % NBUF)

            @pl.when(c + PIPE < N_CHUNKS)
            def _():
                bn = (b + PIPE) % NBUF
                wait(idx_hbm.at[pl.ds(base(c + PIPE), C)], idx_v[bn],
                     sem_idx[bn])

                @pl.when(c >= PIPE)
                def _():
                    wait(rows_v[bn], out_hbm.at[pl.ds(base(c - PIPE), C), :],
                         sem_out[bn])

                fire_fetch(c + PIPE, bn)

            wait(feat_hbm.at[pl.ds(base(c), C), :], rows_v[b], sem_gat[b])
            wait(feat_hbm.at[pl.ds(base(c), C), :], feat_v[b], sem_fea[b])

            def add_row(j, _):
                for k in range(D // LANES):
                    sl = pl.ds(k * LANES, LANES)
                    rows_v[b][j, sl] = rows_v[b][j, sl] + feat_v[b][j, sl]
                return 0

            lax.fori_loop(0, C, add_row, 0)
            pltpu.async_copy(rows_v[b], out_hbm.at[pl.ds(base(c), C), :],
                             sem_out[b])
        return 0

    lax.fori_loop(0, N_OUTER, outer, 0)

    for b in range(NBUF):
        c = N_CHUNKS - NBUF + b
        wait(rows_v[c % NBUF], out_hbm.at[pl.ds(base(c), C), :],
             sem_out[c % NBUF])


@jax.jit
def _gather_add(source_nodes, features, memory):
    mesh = plsc.VectorSubcoreMesh(core_axis_name="c", subcore_axis_name="s")
    f = pl.kernel(
        _sc_body,
        out_type=jax.ShapeDtypeStruct((B, D), jnp.float32),
        mesh=mesh,
        scratch_types=(
            [pltpu.VMEM((C,), jnp.int32) for _ in range(NBUF)]
            + [pltpu.VMEM((C, D), jnp.float32) for _ in range(NBUF)]
            + [pltpu.VMEM((C, D), jnp.float32) for _ in range(NBUF)]
            + [pltpu.SemaphoreType.DMA for _ in range(4 * NBUF)]
        ),
    )
    return f(source_nodes, features, memory)


def kernel(source_nodes, source_node_raw_features, timestamps, n_layers,
           memory, time_W, time_b):
    idx = source_nodes.astype(jnp.int32)
    return _gather_add(idx, source_node_raw_features, memory)

# --- scband reference (transcript-rebuilt; emitter-appended) ---
"""Pipeline reference for scband-graph-embedding-75101798138212 (READ-ONLY COPY).

The authoritative reference and input builder live on the scoring server;
editing this copy changes nothing except your own understanding.
"""

import jax, jax.numpy as jnp
import numpy as np

N_NODES = 100000
B = 625000
D = 128
N_TIME = 128

def setup_inputs(seed: int = 0) -> dict:
    key = jax.random.key(seed)
    k1, k2, k3, k4, k5, k6 = jax.random.split(key, 6)
    source_nodes = jax.random.randint(k1, (B,), 0, N_NODES, dtype=jnp.int64) if jax.config.jax_enable_x64 else jax.random.randint(k1, (B,), 0, N_NODES, dtype=jnp.int32)
    source_node_raw_features = jax.random.normal(k2, (B, D), dtype=jnp.float32)
    timestamps = jax.random.uniform(k3, (B,), dtype=jnp.float32)
    memory = jax.random.normal(k4, (N_NODES, D), dtype=jnp.float32)
    # time encoder (TGN-style: cos(t @ W + b)) learned params
    time_W = jax.random.normal(k5, (1, N_TIME), dtype=jnp.float32)
    time_b = jax.random.normal(k6, (N_TIME,), dtype=jnp.float32)
    return {
        "source_nodes": source_nodes,
        "source_node_raw_features": source_node_raw_features,
        "timestamps": timestamps,
        "n_layers": 0,
        "memory": memory,
        "time_W": time_W,
        "time_b": time_b,
    }

def reference(source_nodes, source_node_raw_features, timestamps, n_layers, memory, time_W, time_b):
    # Faithful translation of GraphEmbedding.compute_embedding with
    # use_memory=True and n_layers == 0 (base case of the recursion).
    n_layers_nonneg = n_layers >= 0
    timestamps_col = timestamps[:, None]
    # self.time_encoder(torch.zeros_like(timestamps_torch)) -- computed in the
    # original forward (unused in the n_layers==0 return path, kept for fidelity)
    source_nodes_time_embedding = jnp.cos(jnp.zeros_like(timestamps_col) @ time_W + time_b)
    source_node_features = source_node_raw_features
    # use_memory: source_node_features = memory[source_nodes, :] + source_node_features
    source_node_features = jnp.take(memory, source_nodes, axis=0) + source_node_features
    # n_layers == 0 -> return source_node_features
    return jnp.where(n_layers_nonneg, source_node_features, source_node_features)

if __name__ == "__main__":
    import jax
    _d = setup_inputs()
    print(jax.jit(kernel)(*tuple(_d.values())))

</pallas_src>

<mosaic_0001>
#map = affine_map<(d0, d1) -> (0)>
#map1 = affine_map<(d0, d1) -> (0, 0)>
module attributes {stable_mosaic.version = 14 : i64} {
  func.func @_sc_body(%arg0: i32, %arg1: i32, %arg2: memref<625000xi32, #tpu.memory_space<hbm>>, %arg3: memref<625000x128xf32, #tpu.memory_space<hbm>>, %arg4: memref<100000x128xf32, #tpu.memory_space<hbm>>, %arg5: memref<625000x128xf32, #tpu.memory_space<hbm>>, %arg6: memref<120xi32, #tpu.memory_space<vmem>>, %arg7: memref<120xi32, #tpu.memory_space<vmem>>, %arg8: memref<120xi32, #tpu.memory_space<vmem>>, %arg9: memref<120xi32, #tpu.memory_space<vmem>>, %arg10: memref<120x128xf32, #tpu.memory_space<vmem>>, %arg11: memref<120x128xf32, #tpu.memory_space<vmem>>, %arg12: memref<120x128xf32, #tpu.memory_space<vmem>>, %arg13: memref<120x128xf32, #tpu.memory_space<vmem>>, %arg14: memref<120x128xf32, #tpu.memory_space<vmem>>, %arg15: memref<120x128xf32, #tpu.memory_space<vmem>>, %arg16: memref<120x128xf32, #tpu.memory_space<vmem>>, %arg17: memref<120x128xf32, #tpu.memory_space<vmem>>, %arg18: memref<!tpu.dma_semaphore, #tpu.memory_space<semaphore_mem>>, %arg19: memref<!tpu.dma_semaphore, #tpu.memory_space<semaphore_mem>>, %arg20: memref<!tpu.dma_semaphore, #tpu.memory_space<semaphore_mem>>, %arg21: memref<!tpu.dma_semaphore, #tpu.memory_space<semaphore_mem>>, %arg22: memref<!tpu.dma_semaphore, #tpu.memory_space<semaphore_mem>>, %arg23: memref<!tpu.dma_semaphore, #tpu.memory_space<semaphore_mem>>, %arg24: memref<!tpu.dma_semaphore, #tpu.memory_space<semaphore_mem>>, %arg25: memref<!tpu.dma_semaphore, #tpu.memory_space<semaphore_mem>>, %arg26: memref<!tpu.dma_semaphore, #tpu.memory_space<semaphore_mem>>, %arg27: memref<!tpu.dma_semaphore, #tpu.memory_space<semaphore_mem>>, %arg28: memref<!tpu.dma_semaphore, #tpu.memory_space<semaphore_mem>>, %arg29: memref<!tpu.dma_semaphore, #tpu.memory_space<semaphore_mem>>, %arg30: memref<!tpu.dma_semaphore, #tpu.memory_space<semaphore_mem>>, %arg31: memref<!tpu.dma_semaphore, #tpu.memory_space<semaphore_mem>>, %arg32: memref<!tpu.dma_semaphore, #tpu.memory_space<semaphore_mem>>, %arg33: memref<!tpu.dma_semaphore, #tpu.memory_space<semaphore_mem>>) attributes {dimension_semantics = [#tpu.dimension_semantics<core_parallel>, #tpu.dimension_semantics<subcore_parallel>], iteration_bounds = array<i64: 2, 16>, scalar_prefetch = 0 : i64, scratch_operands = 28 : i64, tpu.core_type = #tpu.core_type<sc_vector_subcore>, window_params = [{transform_indices = #map}, {transform_indices = #map1}, {transform_indices = #map1}, {transform_indices = #map1}]} {
    %mul3A = arith.constant 2 : i32
    %mul3A_0 = arith.muli %arg1, %mul3A : i32
    %add3A = arith.addi %mul3A_0, %arg0 : i32
    %min3A = arith.constant 13 : i32
    %min3A_1 = arith.minsi %add3A, %min3A : i32
    %mul3A_2 = arith.constant 2441 : i32
    %mul3A_3 = arith.muli %add3A, %mul3A_2 : i32
    %add3A_4 = arith.addi %mul3A_3, %min3A_1 : i32
    %mul3A_5 = arith.constant 8 : i32
    %mul3A_6 = arith.muli %mul3A_5, %add3A_4 : i32
    %lt3A = arith.constant 13 : i32
    %lt3A_7 = arith.cmpi slt, %add3A, %lt3A : i32
    %jit3A = arith.constant 1 : i32
    %jit3A_8 = arith.constant 0 : i32
    %select_n3A = arith.select %lt3A_7, %jit3A, %jit3A_8 : i32
    %add3A_9 = arith.constant 2441 : i32
    %add3A_10 = arith.addi %add3A_9, %select_n3A : i32
    %mul3A_11 = arith.constant 8 : i32
    %mul3A_12 = arith.muli %mul3A_11, %add3A_10 : i32
    %sub3A = arith.constant 120 : i32
    %sub3A_13 = arith.subi %mul3A_12, %sub3A : i32
    %min3A_14 = arith.constant 0 : i32
    %min3A_15 = arith.minsi %min3A_14, %sub3A_13 : i32
    %add3A_16 = arith.addi %mul3A_6, %min3A_15 : i32
    %dma_start3A = tpu.memref_slice %arg2[%add3A_16] : memref<625000xi32, #tpu.memory_space<hbm>> -> memref<120xi32, #tpu.memory_space<hbm>>
    %dma_start3A_17 = tpu.memref_slice %arg2[%add3A_16] : memref<625000xi32, #tpu.memory_space<hbm>> -> memref<120xi32, #tpu.memory_space<hbm>>
    tpu.enqueue_dma source(%dma_start3A_17 : memref<120xi32, #tpu.memory_space<hbm>>) target(%arg6 : memref<120xi32, #tpu.memory_space<vmem>>) target_semaphore(%arg18 : memref<!tpu.dma_semaphore, #tpu.memory_space<semaphore_mem>>)
    %sub3A_18 = arith.constant 120 : i32
    %sub3A_19 = arith.subi %mul3A_12, %sub3A_18 : i32
    %min3A_20 = arith.constant 120 : i32
    %min3A_21 = arith.minsi %min3A_20, %sub3A_19 : i32
    %add3A_22 = arith.addi %mul3A_6, %min3A_21 : i32
    %dma_start3A_23 = tpu.memref_slice %arg2[%add3A_22] : memref<625000xi32, #tpu.memory_space<hbm>> -> memref<120xi32, #tpu.memory_space<hbm>>
    %dma_start3A_24 = tpu.memref_slice %arg2[%add3A_22] : memref<625000xi32, #tpu.memory_space<hbm>> -> memref<120xi32, #tpu.memory_space<hbm>>
    tpu.enqueue_dma source(%dma_start3A_24 : memref<120xi32, #tpu.memory_space<hbm>>) target(%arg7 : memref<120xi32, #tpu.memory_space<vmem>>) target_semaphore(%arg19 : memref<!tpu.dma_semaphore, #tpu.memory_space<semaphore_mem>>)
    %sub3A_25 = arith.constant 120 : i32
    %sub3A_26 = arith.subi %mul3A_12, %sub3A_25 : i32
    %min3A_27 = arith.constant 240 : i32
    %min3A_28 = arith.minsi %min3A_27, %sub3A_26 : i32
    %add3A_29 = arith.addi %mul3A_6, %min3A_28 : i32
    %dma_start3A_30 = tpu.memref_slice %arg2[%add3A_29] : memref<625000xi32, #tpu.memory_space<hbm>> -> memref<120xi32, #tpu.memory_space<hbm>>
    %dma_start3A_31 = tpu.memref_slice %arg2[%add3A_29] : memref<625000xi32, #tpu.memory_space<hbm>> -> memref<120xi32, #tpu.memory_space<hbm>>
    tpu.enqueue_dma source(%dma_start3A_31 : memref<120xi32, #tpu.memory_space<hbm>>) target(%arg8 : memref<120xi32, #tpu.memory_space<vmem>>) target_semaphore(%arg20 : memref<!tpu.dma_semaphore, #tpu.memory_space<semaphore_mem>>)
    %sub3A_32 = arith.constant 120 : i32
    %sub3A_33 = arith.subi %mul3A_12, %sub3A_32 : i32
    %min3A_34 = arith.constant 0 : i32
    %min3A_35 = arith.minsi %min3A_34, %sub3A_33 : i32
    %add3A_36 = arith.addi %mul3A_6, %min3A_35 : i32
    %dma_wait3A = tpu.memref_slice %arg2[%add3A_36] : memref<625000xi32, #tpu.memory_space<hbm>> -> memref<120xi32, #tpu.memory_space<hbm>>
    %dma_wait3A_37 = tpu.memref_slice %arg2[%add3A_36] : memref<625000xi32, #tpu.memory_space<hbm>> -> memref<120xi32, #tpu.memory_space<hbm>>
    tpu.wait_dma2 semaphore(%arg18 : memref<!tpu.dma_semaphore, #tpu.memory_space<semaphore_mem>>) src(%dma_wait3A_37 : memref<120xi32, #tpu.memory_space<hbm>>) dst(%arg6 : memref<120xi32, #tpu.memory_space<vmem>>)
    %sub3A_38 = arith.constant 120 : i32
    %sub3A_39 = arith.subi %mul3A_12, %sub3A_38 : i32
    %min3A_40 = arith.constant 0 : i32
    %min3A_41 = arith.minsi %min3A_40, %sub3A_39 : i32
    %add3A_42 = arith.addi %mul3A_6, %min3A_41 : i32
    %dma_start3A_43 = arith.constant 0 : i32
    %dma_start3A_44 = tpu.memref_slice %arg3[%add3A_42, %dma_start3A_43] : memref<625000x128xf32, #tpu.memory_space<hbm>> -> memref<120x128xf32, #tpu.memory_space<hbm>>
    %dma_start3A_45 = arith.constant 0 : i32
    %dma_start3A_46 = tpu.memref_slice %arg3[%add3A_42, %dma_start3A_45] : memref<625000x128xf32, #tpu.memory_space<hbm>> -> memref<120x128xf32, #tpu.memory_space<hbm>>
    tpu.enqueue_dma source(%dma_start3A_46 : memref<120x128xf32, #tpu.memory_space<hbm>>) target(%arg10 : memref<120x128xf32, #tpu.memory_space<vmem>>) target_semaphore(%arg22 : memref<!tpu.dma_semaphore, #tpu.memory_space<semaphore_mem>>)
    %sub3A_47 = arith.constant 120 : i32
    %sub3A_48 = arith.subi %mul3A_12, %sub3A_47 : i32
    %min3A_49 = arith.constant 0 : i32
    %min3A_50 = arith.minsi %min3A_49, %sub3A_48 : i32
    %add3A_51 = arith.addi %mul3A_6, %min3A_50 : i32
    %dma_start3A_52 = arith.constant 0 : i32
    %dma_start3A_53 = tpu.memref_slice %arg3[%add3A_51, %dma_start3A_52] : memref<625000x128xf32, #tpu.memory_space<hbm>> -> memref<120x128xf32, #tpu.memory_space<hbm>>
    %dma_start3A_54 = arith.constant 0 : i32
    %dma_start3A_55 = tpu.memref_slice %arg3[%add3A_51, %dma_start3A_54] : memref<625000x128xf32, #tpu.memory_space<hbm>> -> memref<120x128xf32, #tpu.memory_space<hbm>>
    tpu.enqueue_dma source(%dma_start3A_55 : memref<120x128xf32, #tpu.memory_space<hbm>>) target(%arg14 : memref<120x128xf32, #tpu.memory_space<vmem>>) target_semaphore(%arg26 : memref<!tpu.dma_semaphore, #tpu.memory_space<semaphore_mem>>)
    %sub3A_56 = arith.constant 120 : i32
    %sub3A_57 = arith.subi %mul3A_12, %sub3A_56 : i32
    %min3A_58 = arith.constant 120 : i32
    %min3A_59 = arith.minsi %min3A_58, %sub3A_57 : i32
    %add3A_60 = arith.addi %mul3A_6, %min3A_59 : i32
    %dma_wait3A_61 = tpu.memref_slice %arg2[%add3A_60] : memref<625000xi32, #tpu.memory_space<hbm>> -> memref<120xi32, #tpu.memory_space<hbm>>
    %dma_wait3A_62 = tpu.memref_slice %arg2[%add3A_60] : memref<625000xi32, #tpu.memory_space<hbm>> -> memref<120xi32, #tpu.memory_space<hbm>>
    tpu.wait_dma2 semaphore(%arg19 : memref<!tpu.dma_semaphore, #tpu.memory_space<semaphore_mem>>) src(%dma_wait3A_62 : memref<120xi32, #tpu.memory_space<hbm>>) dst(%arg7 : memref<120xi32, #tpu.memory_space<vmem>>)
    %sub3A_63 = arith.constant 120 : i32
    %sub3A_64 = arith.subi %mul3A_12, %sub3A_63 : i32
    %min3A_65 = arith.constant 120 : i32
    %min3A_66 = arith.minsi %min3A_65, %sub3A_64 : i32
    %add3A_67 = arith.addi %mul3A_6, %min3A_66 : i32
    %dma_start3A_68 = arith.constant 0 : i32
    %dma_start3A_69 = tpu.memref_slice %arg3[%add3A_67, %dma_start3A_68] : memref<625000x128xf32, #tpu.memory_space<hbm>> -> memref<120x128xf32, #tpu.memory_space<hbm>>
    %dma_start3A_70 = arith.constant 0 : i32
    %dma_start3A_71 = tpu.memref_slice %arg3[%add3A_67, %dma_start3A_70] : memref<625000x128xf32, #tpu.memory_space<hbm>> -> memref<120x128xf32, #tpu.memory_space<hbm>>
    tpu.enqueue_dma source(%dma_start3A_71 : memref<120x128xf32, #tpu.memory_space<hbm>>) target(%arg11 : memref<120x128xf32, #tpu.memory_space<vmem>>) target_semaphore(%arg23 : memref<!tpu.dma_semaphore, #tpu.memory_space<semaphore_mem>>)
    %sub3A_72 = arith.constant 120 : i32
    %sub3A_73 = arith.subi %mul3A_12, %sub3A_72 : i32
    %min3A_74 = arith.constant 120 : i32
    %min3A_75 = arith.minsi %min3A_74, %sub3A_73 : i32
    %add3A_76 = arith.addi %mul3A_6, %min3A_75 : i32
    %dma_start3A_77 = arith.constant 0 : i32
    %dma_start3A_78 = tpu.memref_slice %arg3[%add3A_76, %dma_start3A_77] : memref<625000x128xf32, #tpu.memory_space<hbm>> -> memref<120x128xf32, #tpu.memory_space<hbm>>
    %dma_start3A_79 = arith.constant 0 : i32
    %dma_start3A_80 = tpu.memref_slice %arg3[%add3A_76, %dma_start3A_79] : memref<625000x128xf32, #tpu.memory_space<hbm>> -> memref<120x128xf32, #tpu.memory_space<hbm>>
    tpu.enqueue_dma source(%dma_start3A_80 : memref<120x128xf32, #tpu.memory_space<hbm>>) target(%arg15 : memref<120x128xf32, #tpu.memory_space<vmem>>) target_semaphore(%arg27 : memref<!tpu.dma_semaphore, #tpu.memory_space<semaphore_mem>>)
    %scan3A = arith.constant 0 : i32
    %scan3A_81 = arith.constant 0 : i32
    %scan3A_82 = arith.constant 41 : i32
    %scan3A_83 = arith.addi %scan3A_81, %scan3A_82 : i32
    %scan3A_84 = arith.constant 1 : i32
    %scan3A_85 = scf.for %scan3A_123 = %scan3A_81 to %scan3A_83 step %scan3A_84 iter_args(%scan3A_124 = %scan3A) -> (i32)  : i32 {
      %mul3A_125 = arith.constant 4 : i32
      %mul3A_126 = arith.muli %scan3A_123, %mul3A_125 : i32
      %add3A_127 = arith.constant 0 : i32
      %add3A_128 = arith.addi %mul3A_126, %add3A_127 : i32
      %add3A_129 = arith.constant 2 : i32
      %add3A_130 = arith.addi %add3A_128, %add3A_129 : i32
      %add3A_131 = arith.constant 1 : i32
      %add3A_132 = arith.addi %add3A_130, %add3A_131 : i32
      %lt3A_133 = arith.constant 164 : i32
      %lt3A_134 = arith.cmpi slt, %add3A_132, %lt3A_133 : i32
      %convert_element_type3A = arith.extui %lt3A_134 : i1 to i32
      %cond3A = arith.constant 0 : i32
      %cond3A_135 = arith.cmpi ne, %convert_element_type3A, %cond3A : i32
      scf.if %cond3A_135 {
        %add3A_352 = arith.constant 2 : i32
        %add3A_353 = arith.addi %add3A_128, %add3A_352 : i32
        %add3A_354 = arith.constant 1 : i32
        %add3A_355 = arith.addi %add3A_353, %add3A_354 : i32
        %mul3A_356 = arith.constant 120 : i32
        %mul3A_357 = arith.muli %add3A_355, %mul3A_356 : i32
        %sub3A_358 = arith.constant 120 : i32
        %sub3A_359 = arith.subi %mul3A_12, %sub3A_358 : i32
        %min3A_360 = arith.minsi %mul3A_357, %sub3A_359 : i32
        %add3A_361 = arith.addi %mul3A_6, %min3A_360 : i32
        %dma_start3A_362 = tpu.memref_slice %arg2[%add3A_361] : memref<625000xi32, #tpu.memory_space<hbm>> -> memref<120xi32, #tpu.memory_space<hbm>>
        %dma_start3A_363 = tpu.memref_slice %arg2[%add3A_361] : memref<625000xi32, #tpu.memory_space<hbm>> -> memref<120xi32, #tpu.memory_space<hbm>>
        tpu.enqueue_dma source(%dma_start3A_363 : memref<120xi32, #tpu.memory_space<hbm>>) target(%arg9 : memref<120xi32, #tpu.memory_space<vmem>>) target_semaphore(%arg21 : memref<!tpu.dma_semaphore, #tpu.memory_space<semaphore_mem>>)
      } else {
      }
      %add3A_136 = arith.constant 2 : i32
      %add3A_137 = arith.addi %add3A_128, %add3A_136 : i32
      %lt3A_138 = arith.constant 164 : i32
      %lt3A_139 = arith.cmpi slt, %add3A_137, %lt3A_138 : i32
      %convert_element_type3A_140 = arith.extui %lt3A_139 : i1 to i32
      %cond3A_141 = arith.constant 0 : i32
      %cond3A_142 = arith.cmpi ne, %convert_element_type3A_140, %cond3A_141 : i32
      scf.if %cond3A_142 {
        %add3A_352 = arith.constant 2 : i32
        %add3A_353 = arith.addi %add3A_128, %add3A_352 : i32
        %mul3A_354 = arith.constant 120 : i32
        %mul3A_355 = arith.muli %add3A_353, %mul3A_354 : i32
        %sub3A_356 = arith.constant 120 : i32
        %sub3A_357 = arith.subi %mul3A_12, %sub3A_356 : i32
        %min3A_358 = arith.minsi %mul3A_355, %sub3A_357 : i32
        %add3A_359 = arith.addi %mul3A_6, %min3A_358 : i32
        %dma_wait3A_360 = tpu.memref_slice %arg2[%add3A_359] : memref<625000xi32, #tpu.memory_space<hbm>> -> memref<120xi32, #tpu.memory_space<hbm>>
        %dma_wait3A_361 = tpu.memref_slice %arg2[%add3A_359] : memref<625000xi32, #tpu.memory_space<hbm>> -> memref<120xi32, #tpu.memory_space<hbm>>
        tpu.wait_dma2 semaphore(%arg20 : memref<!tpu.dma_semaphore, #tpu.memory_space<semaphore_mem>>) src(%dma_wait3A_361 : memref<120xi32, #tpu.memory_space<hbm>>) dst(%arg8 : memref<120xi32, #tpu.memory_space<vmem>>)
        %ge3A = arith.constant 2 : i32
        %ge3A_362 = arith.cmpi sge, %add3A_128, %ge3A : i32
        %convert_element_type3A_363 = arith.extui %ge3A_362 : i1 to i32
        %cond3A_364 = arith.constant 0 : i32
        %cond3A_365 = arith.cmpi ne, %convert_element_type3A_363, %cond3A_364 : i32
        scf.if %cond3A_365 {
          %sub3A_388 = arith.constant 2 : i32
          %sub3A_389 = arith.subi %add3A_128, %sub3A_388 : i32
          %mul3A_390 = arith.constant 120 : i32
          %mul3A_391 = arith.muli %sub3A_389, %mul3A_390 : i32
          %sub3A_392 = arith.constant 120 : i32
          %sub3A_393 = arith.subi %mul3A_12, %sub3A_392 : i32
          %min3A_394 = arith.minsi %mul3A_391, %sub3A_393 : i32
          %add3A_395 = arith.addi %mul3A_6, %min3A_394 : i32
          %dma_wait3A_396 = arith.constant 0 : i32
          %dma_wait3A_397 = tpu.memref_slice %arg5[%add3A_395, %dma_wait3A_396] : memref<625000x128xf32, #tpu.memory_space<hbm>> -> memref<120x128xf32, #tpu.memory_space<hbm>>
          %dma_wait3A_398 = arith.constant 0 : i32
          %dma_wait3A_399 = tpu.memref_slice %arg5[%add3A_395, %dma_wait3A_398] : memref<625000x128xf32, #tpu.memory_space<hbm>> -> memref<120x128xf32, #tpu.memory_space<hbm>>
          tpu.wait_dma2 semaphore(%arg32 : memref<!tpu.dma_semaphore, #tpu.memory_space<semaphore_mem>>) src(%arg12 : memref<120x128xf32, #tpu.memory_space<vmem>>) dst(%dma_wait3A_399 : memref<120x128xf32, #tpu.memory_space<hbm>>)
        } else {
        }
        %add3A_366 = arith.constant 2 : i32
        %add3A_367 = arith.addi %add3A_128, %add3A_366 : i32
        %mul3A_368 = arith.constant 120 : i32
        %mul3A_369 = arith.muli %add3A_367, %mul3A_368 : i32
        %sub3A_370 = arith.constant 120 : i32
        %sub3A_371 = arith.subi %mul3A_12, %sub3A_370 : i32
        %min3A_372 = arith.minsi %mul3A_369, %sub3A_371 : i32
        %add3A_373 = arith.addi %mul3A_6, %min3A_372 : i32
        %dma_start3A_374 = arith.constant 0 : i32
        %dma_start3A_375 = tpu.memref_slice %arg3[%add3A_373, %dma_start3A_374] : memref<625000x128xf32, #tpu.memory_space<hbm>> -> memref<120x128xf32, #tpu.memory_space<hbm>>
        %dma_start3A_376 = arith.constant 0 : i32
        %dma_start3A_377 = tpu.memref_slice %arg3[%add3A_373, %dma_start3A_376] : memref<625000x128xf32, #tpu.memory_space<hbm>> -> memref<120x128xf32, #tpu.memory_space<hbm>>
        tpu.enqueue_dma source(%dma_start3A_377 : memref<120x128xf32, #tpu.memory_space<hbm>>) target(%arg12 : memref<120x128xf32, #tpu.memory_space<vmem>>) target_semaphore(%arg24 : memref<!tpu.dma_semaphore, #tpu.memory_space<semaphore_mem>>)
        %mul3A_378 = arith.constant 120 : i32
        %mul3A_379 = arith.muli %add3A_367, %mul3A_378 : i32
        %sub3A_380 = arith.constant 120 : i32
        %sub3A_381 = arith.subi %mul3A_12, %sub3A_380 : i32
        %min3A_382 = arith.minsi %mul3A_379, %sub3A_381 : i32
        %add3A_383 = arith.addi %mul3A_6, %min3A_382 : i32
        %dma_start3A_384 = arith.constant 0 : i32
        %dma_start3A_385 = tpu.memref_slice %arg3[%add3A_383, %dma_start3A_384] : memref<625000x128xf32, #tpu.memory_space<hbm>> -> memref<120x128xf32, #tpu.memory_space<hbm>>
        %dma_start3A_386 = arith.constant 0 : i32
        %dma_start3A_387 = tpu.memref_slice %arg3[%add3A_383, %dma_start3A_386] : memref<625000x128xf32, #tpu.memory_space<hbm>> -> memref<120x128xf32, #tpu.memory_space<hbm>>
        tpu.enqueue_dma source(%dma_start3A_387 : memref<120x128xf32, #tpu.memory_space<hbm>>) target(%arg16 : memref<120x128xf32, #tpu.memory_space<vmem>>) target_semaphore(%arg28 : memref<!tpu.dma_semaphore, #tpu.memory_space<semaphore_mem>>)
      } else {
      }
      %mul3A_143 = arith.constant 120 : i32
      %mul3A_144 = arith.muli %add3A_128, %mul3A_143 : i32
      %sub3A_145 = arith.constant 120 : i32
      %sub3A_146 = arith.subi %mul3A_12, %sub3A_145 : i32
      %min3A_147 = arith.minsi %mul3A_144, %sub3A_146 : i32
      %add3A_148 = arith.addi %mul3A_6, %min3A_147 : i32
      %dma_wait3A_149 = arith.constant 0 : i32
      %dma_wait3A_150 = tpu.memref_slice %arg3[%add3A_148, %dma_wait3A_149] : memref<625000x128xf32, #tpu.memory_space<hbm>> -> memref<120x128xf32, #tpu.memory_space<hbm>>
      %dma_wait3A_151 = arith.constant 0 : i32
      %dma_wait3A_152 = tpu.memref_slice %arg3[%add3A_148, %dma_wait3A_151] : memref<625000x128xf32, #tpu.memory_space<hbm>> -> memref<120x128xf32, #tpu.memory_space<hbm>>
      tpu.wait_dma2 semaphore(%arg22 : memref<!tpu.dma_semaphore, #tpu.memory_space<semaphore_mem>>) src(%dma_wait3A_152 : memref<120x128xf32, #tpu.memory_space<hbm>>) dst(%arg10 : memref<120x128xf32, #tpu.memory_space<vmem>>)
      %mul3A_153 = arith.constant 120 : i32
      %mul3A_154 = arith.muli %add3A_128, %mul3A_153 : i32
      %sub3A_155 = arith.constant 120 : i32
      %sub3A_156 = arith.subi %mul3A_12, %sub3A_155 : i32
      %min3A_157 = arith.minsi %mul3A_154, %sub3A_156 : i32
      %add3A_158 = arith.addi %mul3A_6, %min3A_157 : i32
      %dma_wait3A_159 = arith.constant 0 : i32
      %dma_wait3A_160 = tpu.memref_slice %arg3[%add3A_158, %dma_wait3A_159] : memref<625000x128xf32, #tpu.memory_space<hbm>> -> memref<120x128xf32, #tpu.memory_space<hbm>>
      %dma_wait3A_161 = arith.constant 0 : i32
      %dma_wait3A_162 = tpu.memref_slice %arg3[%add3A_158, %dma_wait3A_161] : memref<625000x128xf32, #tpu.memory_space<hbm>> -> memref<120x128xf32, #tpu.memory_space<hbm>>
      tpu.wait_dma2 semaphore(%arg26 : memref<!tpu.dma_semaphore, #tpu.memory_space<semaphore_mem>>) src(%dma_wait3A_162 : memref<120x128xf32, #tpu.memory_space<hbm>>) dst(%arg14 : memref<120x128xf32, #tpu.memory_space<vmem>>)
      %scan3A_163 = arith.constant 0 : i32
      %scan3A_164 = arith.constant 0 : i32
      %scan3A_165 = arith.constant 120 : i32
      %scan3A_166 = arith.addi %scan3A_164, %scan3A_165 : i32
      %scan3A_167 = arith.constant 1 : i32
      %scan3A_168 = scf.for %scan3A_352 = %scan3A_164 to %scan3A_166 step %scan3A_167 iter_args(%scan3A_353 = %scan3A_163) -> (i32)  : i32 {
        %get3A = arith.index_cast %scan3A_352 : i32 to index
        %get3A_354 = arith.constant 0 : index
        %get3A_355 = tpu.vector_load %arg10[%get3A, %get3A_354] {strides = array<i32>} : memref<120x128xf32, #tpu.memory_space<vmem>>, vector<1x16xf32>,
        %get3A_356 = vector.shape_cast %get3A_355 : vector<1x16xf32> to vector<16xf32>
        %get3A_357 = arith.index_cast %scan3A_352 : i32 to index
        %get3A_358 = arith.constant 0 : index
        %get3A_359 = tpu.vector_load %arg14[%get3A_357, %get3A_358] {strides = array<i32>} : memref<120x128xf32, #tpu.memory_space<vmem>>, vector<1x16xf32>,
        %get3A_360 = vector.shape_cast %get3A_359 : vector<1x16xf32> to vector<16xf32>
        %add3A_361 = arith.addf %get3A_356, %get3A_360 : vector<16xf32>
        %swap3A = arith.index_cast %scan3A_352 : i32 to index
        %swap3A_362 = arith.constant 0 : index
        %swap3A_363 = tpu.vector_load %arg10[%swap3A, %swap3A_362] {strides = array<i32>} : memref<120x128xf32, #tpu.memory_space<vmem>>, vector<1x16xf32>,
        %swap3A_364 = vector.shape_cast %swap3A_363 : vector<1x16xf32> to vector<16xf32>
        %swap3A_365 = vector.shape_cast %add3A_361 : vector<16xf32> to vector<1x16xf32>
        tpu.vector_store %arg10[%swap3A, %swap3A_362], %swap3A_365 {strides = array<i32>} : memref<120x128xf32, #tpu.memory_space<vmem>>, vector<1x16xf32>,
        %get3A_366 = arith.index_cast %scan3A_352 : i32 to index
        %get3A_367 = arith.constant 16 : index
        %get3A_368 = tpu.vector_load %arg10[%get3A_366, %get3A_367] {strides = array<i32>} : memref<120x128xf32, #tpu.memory_space<vmem>>, vector<1x16xf32>,
        %get3A_369 = vector.shape_cast %get3A_368 : vector<1x16xf32> to vector<16xf32>
        %get3A_370 = arith.index_cast %scan3A_352 : i32 to index
        %get3A_371 = arith.constant 16 : index
        %get3A_372 = tpu.vector_load %arg14[%get3A_370, %get3A_371] {strides = array<i32>} : memref<120x128xf32, #tpu.memory_space<vmem>>, vector<1x16xf32>,
        %get3A_373 = vector.shape_cast %get3A_372 : vector<1x16xf32> to vector<16xf32>
        %add3A_374 = arith.addf %get3A_369, %get3A_373 : vector<16xf32>
        %swap3A_375 = arith.index_cast %scan3A_352 : i32 to index
        %swap3A_376 = arith.constant 16 : index
        %swap3A_377 = tpu.vector_load %arg10[%swap3A_375, %swap3A_376] {strides = array<i32>} : memref<120x128xf32, #tpu.memory_space<vmem>>, vector<1x16xf32>,
        %swap3A_378 = vector.shape_cast %swap3A_377 : vector<1x16xf32> to vector<16xf32>
        %swap3A_379 = vector.shape_cast %add3A_374 : vector<16xf32> to vector<1x16xf32>
        tpu.vector_store %arg10[%swap3A_375, %swap3A_376], %swap3A_379 {strides = array<i32>} : memref<120x128xf32, #tpu.memory_space<vmem>>, vector<1x16xf32>,
        %get3A_380 = arith.index_cast %scan3A_352 : i32 to index
        %get3A_381 = arith.constant 32 : index
        %get3A_382 = tpu.vector_load %arg10[%get3A_380, %get3A_381] {strides = array<i32>} : memref<120x128xf32, #tpu.memory_space<vmem>>, vector<1x16xf32>,
        %get3A_383 = vector.shape_cast %get3A_382 : vector<1x16xf32> to vector<16xf32>
        %get3A_384 = arith.index_cast %scan3A_352 : i32 to index
        %get3A_385 = arith.constant 32 : index
        %get3A_386 = tpu.vector_load %arg14[%get3A_384, %get3A_385] {strides = array<i32>} : memref<120x128xf32, #tpu.memory_space<vmem>>, vector<1x16xf32>,
        %get3A_387 = vector.shape_cast %get3A_386 : vector<1x16xf32> to vector<16xf32>
        %add3A_388 = arith.addf %get3A_383, %get3A_387 : vector<16xf32>
        %swap3A_389 = arith.index_cast %scan3A_352 : i32 to index
        %swap3A_390 = arith.constant 32 : index
        %swap3A_391 = tpu.vector_load %arg10[%swap3A_389, %swap3A_390] {strides = array<i32>} : memref<120x128xf32, #tpu.memory_space<vmem>>, vector<1x16xf32>,
        %swap3A_392 = vector.shape_cast %swap3A_391 : vector<1x16xf32> to vector<16xf32>
        %swap3A_393 = vector.shape_cast %add3A_388 : vector<16xf32> to vector<1x16xf32>
        tpu.vector_store %arg10[%swap3A_389, %swap3A_390], %swap3A_393 {strides = array<i32>} : memref<120x128xf32, #tpu.memory_space<vmem>>, vector<1x16xf32>,
        %get3A_394 = arith.index_cast %scan3A_352 : i32 to index
        %get3A_395 = arith.constant 48 : index
        %get3A_396 = tpu.vector_load %arg10[%get3A_394, %get3A_395] {strides = array<i32>} : memref<120x128xf32, #tpu.memory_space<vmem>>, vector<1x16xf32>,
        %get3A_397 = vector.shape_cast %get3A_396 : vector<1x16xf32> to vector<16xf32>
        %get3A_398 = arith.index_cast %scan3A_352 : i32 to index
        %get3A_399 = arith.constant 48 : index
        %get3A_400 = tpu.vector_load %arg14[%get3A_398, %get3A_399] {strides = array<i32>} : memref<120x128xf32, #tpu.memory_space<vmem>>, vector<1x16xf32>,
        %get3A_401 = vector.shape_cast %get3A_400 : vector<1x16xf32> to vector<16xf32>
        %add3A_402 = arith.addf %get3A_397, %get3A_401 : vector<16xf32>
        %swap3A_403 = arith.index_cast %scan3A_352 : i32 to index
        %swap3A_404 = arith.constant 48 : index
        %swap3A_405 = tpu.vector_load %arg10[%swap3A_403, %swap3A_404] {strides = array<i32>} : memref<120x128xf32, #tpu.memory_space<vmem>>, vector<1x16xf32>,
        %swap3A_406 = vector.shape_cast %swap3A_405 : vector<1x16xf32> to vector<16xf32>
        %swap3A_407 = vector.shape_cast %add3A_402 : vector<16xf32> to vector<1x16xf32>
        tpu.vector_store %arg10[%swap3A_403, %swap3A_404], %swap3A_407 {strides = array<i32>} : memref<120x128xf32, #tpu.memory_space<vmem>>, vector<1x16xf32>,
        %get3A_408 = arith.index_cast %scan3A_352 : i32 to index
        %get3A_409 = arith.constant 64 : index
        %get3A_410 = tpu.vector_load %arg10[%get3A_408, %get3A_409] {strides = array<i32>} : memref<120x128xf32, #tpu.memory_space<vmem>>, vector<1x16xf32>,
        %get3A_411 = vector.shape_cast %get3A_410 : vector<1x16xf32> to vector<16xf32>
        %get3A_412 = arith.index_cast %scan3A_352 : i32 to index
        %get3A_413 = arith.constant 64 : index
        %get3A_414 = tpu.vector_load %arg14[%get3A_412, %get3A_413] {strides = array<i32>} : memref<120x128xf32, #tpu.memory_space<vmem>>, vector<1x16xf32>,
        %get3A_415 = vector.shape_cast %get3A_414 : vector<1x16xf32> to vector<16xf32>
        %add3A_416 = arith.addf %get3A_411, %get3A_415 : vector<16xf32>
        %swap3A_417 = arith.index_cast %scan3A_352 : i32 to index
        %swap3A_418 = arith.constant 64 : index
        %swap3A_419 = tpu.vector_load %arg10[%swap3A_417, %swap3A_418] {strides = array<i32>} : memref<120x128xf32, #tpu.memory_space<vmem>>, vector<1x16xf32>,
        %swap3A_420 = vector.shape_cast %swap3A_419 : vector<1x16xf32> to vector<16xf32>
        %swap3A_421 = vector.shape_cast %add3A_416 : vector<16xf32> to vector<1x16xf32>
        tpu.vector_store %arg10[%swap3A_417, %swap3A_418], %swap3A_421 {strides = array<i32>} : memref<120x128xf32, #tpu.memory_space<vmem>>, vector<1x16xf32>,
        %get3A_422 = arith.index_cast %scan3A_352 : i32 to index
        %get3A_423 = arith.constant 80 : index
        %get3A_424 = tpu.vector_load %arg10[%get3A_422, %get3A_423] {strides = array<i32>} : memref<120x128xf32, #tpu.memory_space<vmem>>, vector<1x16xf32>,
        %get3A_425 = vector.shape_cast %get3A_424 : vector<1x16xf32> to vector<16xf32>
        %get3A_426 = arith.index_cast %scan3A_352 : i32 to index
        %get3A_427 = arith.constant 80 : index
        %get3A_428 = tpu.vector_load %arg14[%get3A_426, %get3A_427] {strides = array<i32>} : memref<120x128xf32, #tpu.memory_space<vmem>>, vector<1x16xf32>,
        %get3A_429 = vector.shape_cast %get3A_428 : vector<1x16xf32> to vector<16xf32>
        %add3A_430 = arith.addf %get3A_425, %get3A_429 : vector<16xf32>
        %swap3A_431 = arith.index_cast %scan3A_352 : i32 to index
        %swap3A_432 = arith.constant 80 : index
        %swap3A_433 = tpu.vector_load %arg10[%swap3A_431, %swap3A_432] {strides = array<i32>} : memref<120x128xf32, #tpu.memory_space<vmem>>, vector<1x16xf32>,
        %swap3A_434 = vector.shape_cast %swap3A_433 : vector<1x16xf32> to vector<16xf32>
        %swap3A_435 = vector.shape_cast %add3A_430 : vector<16xf32> to vector<1x16xf32>
        tpu.vector_store %arg10[%swap3A_431, %swap3A_432], %swap3A_435 {strides = array<i32>} : memref<120x128xf32, #tpu.memory_space<vmem>>, vector<1x16xf32>,
        %get3A_436 = arith.index_cast %scan3A_352 : i32 to index
        %get3A_437 = arith.constant 96 : index
        %get3A_438 = tpu.vector_load %arg10[%get3A_436, %get3A_437] {strides = array<i32>} : memref<120x128xf32, #tpu.memory_space<vmem>>, vector<1x16xf32>,
        %get3A_439 = vector.shape_cast %get3A_438 : vector<1x16xf32> to vector<16xf32>
        %get3A_440 = arith.index_cast %scan3A_352 : i32 to index
        %get3A_441 = arith.constant 96 : index
        %get3A_442 = tpu.vector_load %arg14[%get3A_440, %get3A_441] {strides = array<i32>} : memref<120x128xf32, #tpu.memory_space<vmem>>, vector<1x16xf32>,
        %get3A_443 = vector.shape_cast %get3A_442 : vector<1x16xf32> to vector<16xf32>
        %add3A_444 = arith.addf %get3A_439, %get3A_443 : vector<16xf32>
        %swap3A_445 = arith.index_cast %scan3A_352 : i32 to index
        %swap3A_446 = arith.constant 96 : index
        %swap3A_447 = tpu.vector_load %arg10[%swap3A_445, %swap3A_446] {strides = array<i32>} : memref<120x128xf32, #tpu.memory_space<vmem>>, vector<1x16xf32>,
        %swap3A_448 = vector.shape_cast %swap3A_447 : vector<1x16xf32> to vector<16xf32>
        %swap3A_449 = vector.shape_cast %add3A_444 : vector<16xf32> to vector<1x16xf32>
        tpu.vector_store %arg10[%swap3A_445, %swap3A_446], %swap3A_449 {strides = array<i32>} : memref<120x128xf32, #tpu.memory_space<vmem>>, vector<1x16xf32>,
        %get3A_450 = arith.index_cast %scan3A_352 : i32 to index
        %get3A_451 = arith.constant 112 : index
        %get3A_452 = tpu.vector_load %arg10[%get3A_450, %get3A_451] {strides = array<i32>} : memref<120x128xf32, #tpu.memory_space<vmem>>, vector<1x16xf32>,
        %get3A_453 = vector.shape_cast %get3A_452 : vector<1x16xf32> to vector<16xf32>
        %get3A_454 = arith.index_cast %scan3A_352 : i32 to index
        %get3A_455 = arith.constant 112 : index
        %get3A_456 = tpu.vector_load %arg14[%get3A_454, %get3A_455] {strides = array<i32>} : memref<120x128xf32, #tpu.memory_space<vmem>>, vector<1x16xf32>,
        %get3A_457 = vector.shape_cast %get3A_456 : vector<1x16xf32> to vector<16xf32>
        %add3A_458 = arith.addf %get3A_453, %get3A_457 : vector<16xf32>
        %swap3A_459 = arith.index_cast %scan3A_352 : i32 to index
        %swap3A_460 = arith.constant 112 : index
        %swap3A_461 = tpu.vector_load %arg10[%swap3A_459, %swap3A_460] {strides = array<i32>} : memref<120x128xf32, #tpu.memory_space<vmem>>, vector<1x16xf32>,
        %swap3A_462 = vector.shape_cast %swap3A_461 : vector<1x16xf32> to vector<16xf32>
        %swap3A_463 = vector.shape_cast %add3A_458 : vector<16xf32> to vector<1x16xf32>
        tpu.vector_store %arg10[%swap3A_459, %swap3A_460], %swap3A_463 {strides = array<i32>} : memref<120x128xf32, #tpu.memory_space<vmem>>, vector<1x16xf32>,
        %scan3A_464 = arith.constant 0 : i32
        scf.yield %scan3A_464 : i32
      }
      %scan3A_169 = arith.constant 120 : i32
      %mul3A_170 = arith.constant 120 : i32
      %mul3A_171 = arith.muli %add3A_128, %mul3A_170 : i32
      %sub3A_172 = arith.constant 120 : i32
      %sub3A_173 = arith.subi %mul3A_12, %sub3A_172 : i32
      %min3A_174 = arith.minsi %mul3A_171, %sub3A_173 : i32
      %add3A_175 = arith.addi %mul3A_6, %min3A_174 : i32
      %dma_start3A_176 = arith.constant 0 : i32
      %dma_start3A_177 = tpu.memref_slice %arg5[%add3A_175, %dma_start3A_176] : memref<625000x128xf32, #tpu.memory_space<hbm>> -> memref<120x128xf32, #tpu.memory_space<hbm>>
      %dma_start3A_178 = arith.constant 0 : i32
      %dma_start3A_179 = tpu.memref_slice %arg5[%add3A_175, %dma_start3A_178] : memref<625000x128xf32, #tpu.memory_space<hbm>> -> memref<120x128xf32, #tpu.memory_space<hbm>>
      tpu.enqueue_dma source(%arg10 : memref<120x128xf32, #tpu.memory_space<vmem>>) target(%dma_start3A_179 : memref<120x128xf32, #tpu.memory_space<hbm>>) target_semaphore(%arg30 : memref<!tpu.dma_semaphore, #tpu.memory_space<semaphore_mem>>)
      %mul3A_180 = arith.constant 4 : i32
      %mul3A_181 = arith.muli %scan3A_123, %mul3A_180 : i32
      %add3A_182 = arith.constant 1 : i32
      %add3A_183 = arith.addi %mul3A_181, %add3A_182 : i32
      %add3A_184 = arith.constant 2 : i32
      %add3A_185 = arith.addi %add3A_183, %add3A_184 : i32
      %add3A_186 = arith.constant 1 : i32
      %add3A_187 = arith.addi %add3A_185, %add3A_186 : i32
      %lt3A_188 = arith.constant 164 : i32
      %lt3A_189 = arith.cmpi slt, %add3A_187, %lt3A_188 : i32
      %convert_element_type3A_190 = arith.extui %lt3A_189 : i1 to i32
      %cond3A_191 = arith.constant 0 : i32
      %cond3A_192 = arith.cmpi ne, %convert_element_type3A_190, %cond3A_191 : i32
      scf.if %cond3A_192 {
        %add3A_352 = arith.constant 2 : i32
        %add3A_353 = arith.addi %add3A_183, %add3A_352 : i32
        %add3A_354 = arith.constant 1 : i32
        %add3A_355 = arith.addi %add3A_353, %add3A_354 : i32
        %mul3A_356 = arith.constant 120 : i32
        %mul3A_357 = arith.muli %add3A_355, %mul3A_356 : i32
        %sub3A_358 = arith.constant 120 : i32
        %sub3A_359 = arith.subi %mul3A_12, %sub3A_358 : i32
        %min3A_360 = arith.minsi %mul3A_357, %sub3A_359 : i32
        %add3A_361 = arith.addi %mul3A_6, %min3A_360 : i32
        %dma_start3A_362 = tpu.memref_slice %arg2[%add3A_361] : memref<625000xi32, #tpu.memory_space<hbm>> -> memref<120xi32, #tpu.memory_space<hbm>>
        %dma_start3A_363 = tpu.memref_slice %arg2[%add3A_361] : memref<625000xi32, #tpu.memory_space<hbm>> -> memref<120xi32, #tpu.memory_space<hbm>>
        tpu.enqueue_dma source(%dma_start3A_363 : memref<120xi32, #tpu.memory_space<hbm>>) target(%arg6 : memref<120xi32, #tpu.memory_space<vmem>>) target_semaphore(%arg18 : memref<!tpu.dma_semaphore, #tpu.memory_space<semaphore_mem>>)
      } else {
      }
      %add3A_193 = arith.constant 2 : i32
      %add3A_194 = arith.addi %add3A_183, %add3A_193 : i32
      %lt3A_195 = arith.constant 164 : i32
      %lt3A_196 = arith.cmpi slt, %add3A_194, %lt3A_195 : i32
      %convert_element_type3A_197 = arith.extui %lt3A_196 : i1 to i32
      %cond3A_198 = arith.constant 0 : i32
      %cond3A_199 = arith.cmpi ne, %convert_element_type3A_197, %cond3A_198 : i32
      scf.if %cond3A_199 {
        %add3A_352 = arith.constant 2 : i32
        %add3A_353 = arith.addi %add3A_183, %add3A_352 : i32
        %mul3A_354 = arith.constant 120 : i32
        %mul3A_355 = arith.muli %add3A_353, %mul3A_354 : i32
        %sub3A_356 = arith.constant 120 : i32
        %sub3A_357 = arith.subi %mul3A_12, %sub3A_356 : i32
        %min3A_358 = arith.minsi %mul3A_355, %sub3A_357 : i32
        %add3A_359 = arith.addi %mul3A_6, %min3A_358 : i32
        %dma_wait3A_360 = tpu.memref_slice %arg2[%add3A_359] : memref<625000xi32, #tpu.memory_space<hbm>> -> memref<120xi32, #tpu.memory_space<hbm>>
        %dma_wait3A_361 = tpu.memref_slice %arg2[%add3A_359] : memref<625000xi32, #tpu.memory_space<hbm>> -> memref<120xi32, #tpu.memory_space<hbm>>
        tpu.wait_dma2 semaphore(%arg21 : memref<!tpu.dma_semaphore, #tpu.memory_space<semaphore_mem>>) src(%dma_wait3A_361 : memref<120xi32, #tpu.memory_space<hbm>>) dst(%arg9 : memref<120xi32, #tpu.memory_space<vmem>>)
        %ge3A = arith.constant 2 : i32
        %ge3A_362 = arith.cmpi sge, %add3A_183, %ge3A : i32
        %convert_element_type3A_363 = arith.extui %ge3A_362 : i1 to i32
        %cond3A_364 = arith.constant 0 : i32
        %cond3A_365 = arith.cmpi ne, %convert_element_type3A_363, %cond3A_364 : i32
        scf.if %cond3A_365 {
          %sub3A_388 = arith.constant 2 : i32
          %sub3A_389 = arith.subi %add3A_183, %sub3A_388 : i32
          %mul3A_390 = arith.constant 120 : i32
          %mul3A_391 = arith.muli %sub3A_389, %mul3A_390 : i32
          %sub3A_392 = arith.constant 120 : i32
          %sub3A_393 = arith.subi %mul3A_12, %sub3A_392 : i32
          %min3A_394 = arith.minsi %mul3A_391, %sub3A_393 : i32
          %add3A_395 = arith.addi %mul3A_6, %min3A_394 : i32
          %dma_wait3A_396 = arith.constant 0 : i32
          %dma_wait3A_397 = tpu.memref_slice %arg5[%add3A_395, %dma_wait3A_396] : memref<625000x128xf32, #tpu.memory_space<hbm>> -> memref<120x128xf32, #tpu.memory_space<hbm>>
          %dma_wait3A_398 = arith.constant 0 : i32
          %dma_wait3A_399 = tpu.memref_slice %arg5[%add3A_395, %dma_wait3A_398] : memref<625000x128xf32, #tpu.memory_space<hbm>> -> memref<120x128xf32, #tpu.memory_space<hbm>>
          tpu.wait_dma2 semaphore(%arg33 : memref<!tpu.dma_semaphore, #tpu.memory_space<semaphore_mem>>) src(%arg13 : memref<120x128xf32, #tpu.memory_space<vmem>>) dst(%dma_wait3A_399 : memref<120x128xf32, #tpu.memory_space<hbm>>)
        } else {
        }
        %add3A_366 = arith.constant 2 : i32
        %add3A_367 = arith.addi %add3A_183, %add3A_366 : i32
        %mul3A_368 = arith.constant 120 : i32
        %mul3A_369 = arith.muli %add3A_367, %mul3A_368 : i32
        %sub3A_370 = arith.constant 120 : i32
        %sub3A_371 = arith.subi %mul3A_12, %sub3A_370 : i32
        %min3A_372 = arith.minsi %mul3A_369, %sub3A_371 : i32
        %add3A_373 = arith.addi %mul3A_6, %min3A_372 : i32
        %dma_start3A_374 = arith.constant 0 : i32
        %dma_start3A_375 = tpu.memref_slice %arg3[%add3A_373, %dma_start3A_374] : memref<625000x128xf32, #tpu.memory_space<hbm>> -> memref<120x128xf32, #tpu.memory_space<hbm>>
        %dma_start3A_376 = arith.constant 0 : i32
        %dma_start3A_377 = tpu.memref_slice %arg3[%add3A_373, %dma_start3A_376] : memref<625000x128xf32, #tpu.memory_space<hbm>> -> memref<120x128xf32, #tpu.memory_space<hbm>>
        tpu.enqueue_dma source(%dma_start3A_377 : memref<120x128xf32, #tpu.memory_space<hbm>>) target(%arg13 : memref<120x128xf32, #tpu.memory_space<vmem>>) target_semaphore(%arg25 : memref<!tpu.dma_semaphore, #tpu.memory_space<semaphore_mem>>)
        %mul3A_378 = arith.constant 120 : i32
        %mul3A_379 = arith.muli %add3A_367, %mul3A_378 : i32
        %sub3A_380 = arith.constant 120 : i32
        %sub3A_381 = arith.subi %mul3A_12, %sub3A_380 : i32
        %min3A_382 = arith.minsi %mul3A_379, %sub3A_381 : i32
        %add3A_383 = arith.addi %mul3A_6, %min3A_382 : i32
        %dma_start3A_384 = arith.constant 0 : i32
        %dma_start3A_385 = tpu.memref_slice %arg3[%add3A_383, %dma_start3A_384] : memref<625000x128xf32, #tpu.memory_space<hbm>> -> memref<120x128xf32, #tpu.memory_space<hbm>>
        %dma_start3A_386 = arith.constant 0 : i32
        %dma_start3A_387 = tpu.memref_slice %arg3[%add3A_383, %dma_start3A_386] : memref<625000x128xf32, #tpu.memory_space<hbm>> -> memref<120x128xf32, #tpu.memory_space<hbm>>
        tpu.enqueue_dma source(%dma_start3A_387 : memref<120x128xf32, #tpu.memory_space<hbm>>) target(%arg17 : memref<120x128xf32, #tpu.memory_space<vmem>>) target_semaphore(%arg29 : memref<!tpu.dma_semaphore, #tpu.memory_space<semaphore_mem>>)
      } else {
      }
      %mul3A_200 = arith.constant 120 : i32
      %mul3A_201 = arith.muli %add3A_183, %mul3A_200 : i32
      %sub3A_202 = arith.constant 120 : i32
      %sub3A_203 = arith.subi %mul3A_12, %sub3A_202 : i32
      %min3A_204 = arith.minsi %mul3A_201, %sub3A_203 : i32
      %add3A_205 = arith.addi %mul3A_6, %min3A_204 : i32
      %dma_wait3A_206 = arith.constant 0 : i32
      %dma_wait3A_207 = tpu.memref_slice %arg3[%add3A_205, %dma_wait3A_206] : memref<625000x128xf32, #tpu.memory_space<hbm>> -> memref<120x128xf32, #tpu.memory_space<hbm>>
      %dma_wait3A_208 = arith.constant 0 : i32
      %dma_wait3A_209 = tpu.memref_slice %arg3[%add3A_205, %dma_wait3A_208] : memref<625000x128xf32, #tpu.memory_space<hbm>> -> memref<120x128xf32, #tpu.memory_space<hbm>>
      tpu.wait_dma2 semaphore(%arg23 : memref<!tpu.dma_semaphore, #tpu.memory_space<semaphore_mem>>) src(%dma_wait3A_209 : memref<120x128xf32, #tpu.memory_space<hbm>>) dst(%arg11 : memref<120x128xf32, #tpu.memory_space<vmem>>)
      %mul3A_210 = arith.constant 120 : i32
      %mul3A_211 = arith.muli %add3A_183, %mul3A_210 : i32
      %sub3A_212 = arith.constant 120 : i32
      %sub3A_213 = arith.subi %mul3A_12, %sub3A_212 : i32
      %min3A_214 = arith.minsi %mul3A_211, %sub3A_213 : i32
      %add3A_215 = arith.addi %mul3A_6, %min3A_214 : i32
      %dma_wait3A_216 = arith.constant 0 : i32
      %dma_wait3A_217 = tpu.memref_slice %arg3[%add3A_215, %dma_wait3A_216] : memref<625000x128xf32, #tpu.memory_space<hbm>> -> memref<120x128xf32, #tpu.memory_space<hbm>>
      %dma_wait3A_218 = arith.constant 0 : i32
      %dma_wait3A_219 = tpu.memref_slice %arg3[%add3A_215, %dma_wait3A_218] : memref<625000x128xf32, #tpu.memory_space<hbm>> -> memref<120x128xf32, #tpu.memory_space<hbm>>
      tpu.wait_dma2 semaphore(%arg27 : memref<!tpu.dma_semaphore, #tpu.memory_space<semaphore_mem>>) src(%dma_wait3A_219 : memref<120x128xf32, #tpu.memory_space<hbm>>) dst(%arg15 : memref<120x128xf32, #tpu.memory_space<vmem>>)
      %scan3A_220 = arith.constant 0 : i32
      %scan3A_221 = arith.constant 0 : i32
      %scan3A_222 = arith.constant 120 : i32
      %scan3A_223 = arith.addi %scan3A_221, %scan3A_222 : i32
      %scan3A_224 = arith.constant 1 : i32
      %scan3A_225 = scf.for %scan3A_352 = %scan3A_221 to %scan3A_223 step %scan3A_224 iter_args(%scan3A_353 = %scan3A_220) -> (i32)  : i32 {
        %get3A = arith.index_cast %scan3A_352 : i32 to index
        %get3A_354 = arith.constant 0 : index
        %get3A_355 = tpu.vector_load %arg11[%get3A, %get3A_354] {strides = array<i32>} : memref<120x128xf32, #tpu.memory_space<vmem>>, vector<1x16xf32>,
        %get3A_356 = vector.shape_cast %get3A_355 : vector<1x16xf32> to vector<16xf32>
        %get3A_357 = arith.index_cast %scan3A_352 : i32 to index
        %get3A_358 = arith.constant 0 : index
        %get3A_359 = tpu.vector_load %arg15[%get3A_357, %get3A_358] {strides = array<i32>} : memref<120x128xf32, #tpu.memory_space<vmem>>, vector<1x16xf32>,
        %get3A_360 = vector.shape_cast %get3A_359 : vector<1x16xf32> to vector<16xf32>
        %add3A_361 = arith.addf %get3A_356, %get3A_360 : vector<16xf32>
        %swap3A = arith.index_cast %scan3A_352 : i32 to index
        %swap3A_362 = arith.constant 0 : index
        %swap3A_363 = tpu.vector_load %arg11[%swap3A, %swap3A_362] {strides = array<i32>} : memref<120x128xf32, #tpu.memory_space<vmem>>, vector<1x16xf32>,
        %swap3A_364 = vector.shape_cast %swap3A_363 : vector<1x16xf32> to vector<16xf32>
        %swap3A_365 = vector.shape_cast %add3A_361 : vector<16xf32> to vector<1x16xf32>
        tpu.vector_store %arg11[%swap3A, %swap3A_362], %swap3A_365 {strides = array<i32>} : memref<120x128xf32, #tpu.memory_space<vmem>>, vector<1x16xf32>,
        %get3A_366 = arith.index_cast %scan3A_352 : i32 to index
        %get3A_367 = arith.constant 16 : index
        %get3A_368 = tpu.vector_load %arg11[%get3A_366, %get3A_367] {strides = array<i32>} : memref<120x128xf32, #tpu.memory_space<vmem>>, vector<1x16xf32>,
        %get3A_369 = vector.shape_cast %get3A_368 : vector<1x16xf32> to vector<16xf32>
        %get3A_370 = arith.index_cast %scan3A_352 : i32 to index
        %get3A_371 = arith.constant 16 : index
        %get3A_372 = tpu.vector_load %arg15[%get3A_370, %get3A_371] {strides = array<i32>} : memref<120x128xf32, #tpu.memory_space<vmem>>, vector<1x16xf32>,
        %get3A_373 = vector.shape_cast %get3A_372 : vector<1x16xf32> to vector<16xf32>
        %add3A_374 = arith.addf %get3A_369, %get3A_373 : vector<16xf32>
        %swap3A_375 = arith.index_cast %scan3A_352 : i32 to index
        %swap3A_376 = arith.constant 16 : index
        %swap3A_377 = tpu.vector_load %arg11[%swap3A_375, %swap3A_376] {strides = array<i32>} : memref<120x128xf32, #tpu.memory_space<vmem>>, vector<1x16xf32>,
        %swap3A_378 = vector.shape_cast %swap3A_377 : vector<1x16xf32> to vector<16xf32>
        %swap3A_379 = vector.shape_cast %add3A_374 : vector<16xf32> to vector<1x16xf32>
        tpu.vector_store %arg11[%swap3A_375, %swap3A_376], %swap3A_379 {strides = array<i32>} : memref<120x128xf32, #tpu.memory_space<vmem>>, vector<1x16xf32>,
        %get3A_380 = arith.index_cast %scan3A_352 : i32 to index
        %get3A_381 = arith.constant 32 : index
        %get3A_382 = tpu.vector_load %arg11[%get3A_380, %get3A_381] {strides = array<i32>} : memref<120x128xf32, #tpu.memory_space<vmem>>, vector<1x16xf32>,
        %get3A_383 = vector.shape_cast %get3A_382 : vector<1x16xf32> to vector<16xf32>
        %get3A_384 = arith.index_cast %scan3A_352 : i32 to index
        %get3A_385 = arith.constant 32 : index
        %get3A_386 = tpu.vector_load %arg15[%get3A_384, %get3A_385] {strides = array<i32>} : memref<120x128xf32, #tpu.memory_space<vmem>>, vector<1x16xf32>,
        %get3A_387 = vector.shape_cast %get3A_386 : vector<1x16xf32> to vector<16xf32>
        %add3A_388 = arith.addf %get3A_383, %get3A_387 : vector<16xf32>
        %swap3A_389 = arith.index_cast %scan3A_352 : i32 to index
        %swap3A_390 = arith.constant 32 : index
        %swap3A_391 = tpu.vector_load %arg11[%swap3A_389, %swap3A_390] {strides = array<i32>} : memref<120x128xf32, #tpu.memory_space<vmem>>, vector<1x16xf32>,
        %swap3A_392 = vector.shape_cast %swap3A_391 : vector<1x16xf32> to vector<16xf32>
        %swap3A_393 = vector.shape_cast %add3A_388 : vector<16xf32> to vector<1x16xf32>
        tpu.vector_store %arg11[%swap3A_389, %swap3A_390], %swap3A_393 {strides = array<i32>} : memref<120x128xf32, #tpu.memory_space<vmem>>, vector<1x16xf32>,
        %get3A_394 = arith.index_cast %scan3A_352 : i32 to index
        %get3A_395 = arith.constant 48 : index
        %get3A_396 = tpu.vector_load %arg11[%get3A_394, %get3A_395] {strides = array<i32>} : memref<120x128xf32, #tpu.memory_space<vmem>>, vector<1x16xf32>,
        %get3A_397 = vector.shape_cast %get3A_396 : vector<1x16xf32> to vector<16xf32>
        %get3A_398 = arith.index_cast %scan3A_352 : i32 to index
        %get3A_399 = arith.constant 48 : index
        %get3A_400 = tpu.vector_load %arg15[%get3A_398, %get3A_399] {strides = array<i32>} : memref<120x128xf32, #tpu.memory_space<vmem>>, vector<1x16xf32>,
        %get3A_401 = vector.shape_cast %get3A_400 : vector<1x16xf32> to vector<16xf32>
        %add3A_402 = arith.addf %get3A_397, %get3A_401 : vector<16xf32>
        %swap3A_403 = arith.index_cast %scan3A_352 : i32 to index
        %swap3A_404 = arith.constant 48 : index
        %swap3A_405 = tpu.vector_load %arg11[%swap3A_403, %swap3A_404] {strides = array<i32>} : memref<120x128xf32, #tpu.memory_space<vmem>>, vector<1x16xf32>,
        %swap3A_406 = vector.shape_cast %swap3A_405 : vector<1x16xf32> to vector<16xf32>
        %swap3A_407 = vector.shape_cast %add3A_402 : vector<16xf32> to vector<1x16xf32>
        tpu.vector_store %arg11[%swap3A_403, %swap3A_404], %swap3A_407 {strides = array<i32>} : memref<120x128xf32, #tpu.memory_space<vmem>>, vector<1x16xf32>,
        %get3A_408 = arith.index_cast %scan3A_352 : i32 to index
        %get3A_409 = arith.constant 64 : index
        %get3A_410 = tpu.vector_load %arg11[%get3A_408, %get3A_409] {strides = array<i32>} : memref<120x128xf32, #tpu.memory_space<vmem>>, vector<1x16xf32>,
        %get3A_411 = vector.shape_cast %get3A_410 : vector<1x16xf32> to vector<16xf32>
        %get3A_412 = arith.index_cast %scan3A_352 : i32 to index
        %get3A_413 = arith.constant 64 : index
        %get3A_414 = tpu.vector_load %arg15[%get3A_412, %get3A_413] {strides = array<i32>} : memref<120x128xf32, #tpu.memory_space<vmem>>, vector<1x16xf32>,
        %get3A_415 = vector.shape_cast %get3A_414 : vector<1x16xf32> to vector<16xf32>
        %add3A_416 = arith.addf %get3A_411, %get3A_415 : vector<16xf32>
        %swap3A_417 = arith.index_cast %scan3A_352 : i32 to index
        %swap3A_418 = arith.constant 64 : index
        %swap3A_419 = tpu.vector_load %arg11[%swap3A_417, %swap3A_418] {strides = array<i32>} : memref<120x128xf32, #tpu.memory_space<vmem>>, vector<1x16xf32>,
        %swap3A_420 = vector.shape_cast %swap3A_419 : vector<1x16xf32> to vector<16xf32>
        %swap3A_421 = vector.shape_cast %add3A_416 : vector<16xf32> to vector<1x16xf32>
        tpu.vector_store %arg11[%swap3A_417, %swap3A_418], %swap3A_421 {strides = array<i32>} : memref<120x128xf32, #tpu.memory_space<vmem>>, vector<1x16xf32>,
        %get3A_422 = arith.index_cast %scan3A_352 : i32 to index
        %get3A_423 = arith.constant 80 : index
        %get3A_424 = tpu.vector_load %arg11[%get3A_422, %get3A_423] {strides = array<i32>} : memref<120x128xf32, #tpu.memory_space<vmem>>, vector<1x16xf32>,
        %get3A_425 = vector.shape_cast %get3A_424 : vector<1x16xf32> to vector<16xf32>
        %get3A_426 = arith.index_cast %scan3A_352 : i32 to index
        %get3A_427 = arith.constant 80 : index
        %get3A_428 = tpu.vector_load %arg15[%get3A_426, %get3A_427] {strides = array<i32>} : memref<120x128xf32, #tpu.memory_space<vmem>>, vector<1x16xf32>,
        %get3A_429 = vector.shape_cast %get3A_428 : vector<1x16xf32> to vector<16xf32>
        %add3A_430 = arith.addf %get3A_425, %get3A_429 : vector<16xf32>
        %swap3A_431 = arith.index_cast %scan3A_352 : i32 to index
        %swap3A_432 = arith.constant 80 : index
        %swap3A_433 = tpu.vector_load %arg11[%swap3A_431, %swap3A_432] {strides = array<i32>} : memref<120x128xf32, #tpu.memory_space<vmem>>, vector<1x16xf32>,
        %swap3A_434 = vector.shape_cast %swap3A_433 : vector<1x16xf32> to vector<16xf32>
        %swap3A_435 = vector.shape_cast %add3A_430 : vector<16xf32> to vector<1x16xf32>
        tpu.vector_store %arg11[%swap3A_431, %swap3A_432], %swap3A_435 {strides = array<i32>} : memref<120x128xf32, #tpu.memory_space<vmem>>, vector<1x16xf32>,
        %get3A_436 = arith.index_cast %scan3A_352 : i32 to index
        %get3A_437 = arith.constant 96 : index
        %get3A_438 = tpu.vector_load %arg11[%get3A_436, %get3A_437] {strides = array<i32>} : memref<120x128xf32, #tpu.memory_space<vmem>>, vector<1x16xf32>,
        %get3A_439 = vector.shape_cast %get3A_438 : vector<1x16xf32> to vector<16xf32>
        %get3A_440 = arith.index_cast %scan3A_352 : i32 to index
        %get3A_441 = arith.constant 96 : index
        %get3A_442 = tpu.vector_load %arg15[%get3A_440, %get3A_441] {strides = array<i32>} : memref<120x128xf32, #tpu.memory_space<vmem>>, vector<1x16xf32>,
        %get3A_443 = vector.shape_cast %get3A_442 : vector<1x16xf32> to vector<16xf32>
        %add3A_444 = arith.addf %get3A_439, %get3A_443 : vector<16xf32>
        %swap3A_445 = arith.index_cast %scan3A_352 : i32 to index
        %swap3A_446 = arith.constant 96 : index
        %swap3A_447 = tpu.vector_load %arg11[%swap3A_445, %swap3A_446] {strides = array<i32>} : memref<120x128xf32, #tpu.memory_space<vmem>>, vector<1x16xf32>,
        %swap3A_448 = vector.shape_cast %swap3A_447 : vector<1x16xf32> to vector<16xf32>
        %swap3A_449 = vector.shape_cast %add3A_444 : vector<16xf32> to vector<1x16xf32>
        tpu.vector_store %arg11[%swap3A_445, %swap3A_446], %swap3A_449 {strides = array<i32>} : memref<120x128xf32, #tpu.memory_space<vmem>>, vector<1x16xf32>,
        %get3A_450 = arith.index_cast %scan3A_352 : i32 to index
        %get3A_451 = arith.constant 112 : index
        %get3A_452 = tpu.vector_load %arg11[%get3A_450, %get3A_451] {strides = array<i32>} : memref<120x128xf32, #tpu.memory_space<vmem>>, vector<1x16xf32>,
        %get3A_453 = vector.shape_cast %get3A_452 : vector<1x16xf32> to vector<16xf32>
        %get3A_454 = arith.index_cast %scan3A_352 : i32 to index
        %get3A_455 = arith.constant 112 : index
        %get3A_456 = tpu.vector_load %arg15[%get3A_454, %get3A_455] {strides = array<i32>} : memref<120x128xf32, #tpu.memory_space<vmem>>, vector<1x16xf32>,
        %get3A_457 = vector.shape_cast %get3A_456 : vector<1x16xf32> to vector<16xf32>
        %add3A_458 = arith.addf %get3A_453, %get3A_457 : vector<16xf32>
        %swap3A_459 = arith.index_cast %scan3A_352 : i32 to index
        %swap3A_460 = arith.constant 112 : index
        %swap3A_461 = tpu.vector_load %arg11[%swap3A_459, %swap3A_460] {strides = array<i32>} : memref<120x128xf32, #tpu.memory_space<vmem>>, vector<1x16xf32>,
        %swap3A_462 = vector.shape_cast %swap3A_461 : vector<1x16xf32> to vector<16xf32>
        %swap3A_463 = vector.shape_cast %add3A_458 : vector<16xf32> to vector<1x16xf32>
        tpu.vector_store %arg11[%swap3A_459, %swap3A_460], %swap3A_463 {strides = array<i32>} : memref<120x128xf32, #tpu.memory_space<vmem>>, vector<1x16xf32>,
        %scan3A_464 = arith.constant 0 : i32
        scf.yield %scan3A_464 : i32
      }
      %scan3A_226 = arith.constant 120 : i32
      %mul3A_227 = arith.constant 120 : i32
      %mul3A_228 = arith.muli %add3A_183, %mul3A_227 : i32
      %sub3A_229 = arith.constant 120 : i32
      %sub3A_230 = arith.subi %mul3A_12, %sub3A_229 : i32
      %min3A_231 = arith.minsi %mul3A_228, %sub3A_230 : i32
      %add3A_232 = arith.addi %mul3A_6, %min3A_231 : i32
      %dma_start3A_233 = arith.constant 0 : i32
      %dma_start3A_234 = tpu.memref_slice %arg5[%add3A_232, %dma_start3A_233] : memref<625000x128xf32, #tpu.memory_space<hbm>> -> memref<120x128xf32, #tpu.memory_space<hbm>>
      %dma_start3A_235 = arith.constant 0 : i32
      %dma_start3A_236 = tpu.memref_slice %arg5[%add3A_232, %dma_start3A_235] : memref<625000x128xf32, #tpu.memory_space<hbm>> -> memref<120x128xf32, #tpu.memory_space<hbm>>
      tpu.enqueue_dma source(%arg11 : memref<120x128xf32, #tpu.memory_space<vmem>>) target(%dma_start3A_236 : memref<120x128xf32, #tpu.memory_space<hbm>>) target_semaphore(%arg31 : memref<!tpu.dma_semaphore, #tpu.memory_space<semaphore_mem>>)
      %mul3A_237 = arith.constant 4 : i32
      %mul3A_238 = arith.muli %scan3A_123, %mul3A_237 : i32
      %add3A_239 = arith.constant 2 : i32
      %add3A_240 = arith.addi %mul3A_238, %add3A_239 : i32
      %add3A_241 = arith.constant 2 : i32
      %add3A_242 = arith.addi %add3A_240, %add3A_241 : i32
      %add3A_243 = arith.constant 1 : i32
      %add3A_244 = arith.addi %add3A_242, %add3A_243 : i32
      %lt3A_245 = arith.constant 164 : i32
      %lt3A_246 = arith.cmpi slt, %add3A_244, %lt3A_245 : i32
      %convert_element_type3A_247 = arith.extui %lt3A_246 : i1 to i32
      %cond3A_248 = arith.constant 0 : i32
      %cond3A_249 = arith.cmpi ne, %convert_element_type3A_247, %cond3A_248 : i32
      scf.if %cond3A_249 {
        %add3A_352 = arith.constant 2 : i32
        %add3A_353 = arith.addi %add3A_240, %add3A_352 : i32
        %add3A_354 = arith.constant 1 : i32
        %add3A_355 = arith.addi %add3A_353, %add3A_354 : i32
        %mul3A_356 = arith.constant 120 : i32
        %mul3A_357 = arith.muli %add3A_355, %mul3A_356 : i32
        %sub3A_358 = arith.constant 120 : i32
        %sub3A_359 = arith.subi %mul3A_12, %sub3A_358 : i32
        %min3A_360 = arith.minsi %mul3A_357, %sub3A_359 : i32
        %add3A_361 = arith.addi %mul3A_6, %min3A_360 : i32
        %dma_start3A_362 = tpu.memref_slice %arg2[%add3A_361] : memref<625000xi32, #tpu.memory_space<hbm>> -> memref<120xi32, #tpu.memory_space<hbm>>
        %dma_start3A_363 = tpu.memref_slice %arg2[%add3A_361] : memref<625000xi32, #tpu.memory_space<hbm>> -> memref<120xi32, #tpu.memory_space<hbm>>
        tpu.enqueue_dma source(%dma_start3A_363 : memref<120xi32, #tpu.memory_space<hbm>>) target(%arg7 : memref<120xi32, #tpu.memory_space<vmem>>) target_semaphore(%arg19 : memref<!tpu.dma_semaphore, #tpu.memory_space<semaphore_mem>>)
      } else {
      }
      %add3A_250 = arith.constant 2 : i32
      %add3A_251 = arith.addi %add3A_240, %add3A_250 : i32
      %lt3A_252 = arith.constant 164 : i32
      %lt3A_253 = arith.cmpi slt, %add3A_251, %lt3A_252 : i32
      %convert_element_type3A_254 = arith.extui %lt3A_253 : i1 to i32
      %cond3A_255 = arith.constant 0 : i32
      %cond3A_256 = arith.cmpi ne, %convert_element_type3A_254, %cond3A_255 : i32
      scf.if %cond3A_256 {
        %add3A_352 = arith.constant 2 : i32
        %add3A_353 = arith.addi %add3A_240, %add3A_352 : i32
        %mul3A_354 = arith.constant 120 : i32
        %mul3A_355 = arith.muli %add3A_353, %mul3A_354 : i32
        %sub3A_356 = arith.constant 120 : i32
        %sub3A_357 = arith.subi %mul3A_12, %sub3A_356 : i32
        %min3A_358 = arith.minsi %mul3A_355, %sub3A_357 : i32
        %add3A_359 = arith.addi %mul3A_6, %min3A_358 : i32
        %dma_wait3A_360 = tpu.memref_slice %arg2[%add3A_359] : memref<625000xi32, #tpu.memory_space<hbm>> -> memref<120xi32, #tpu.memory_space<hbm>>
        %dma_wait3A_361 = tpu.memref_slice %arg2[%add3A_359] : memref<625000xi32, #tpu.memory_space<hbm>> -> memref<120xi32, #tpu.memory_space<hbm>>
        tpu.wait_dma2 semaphore(%arg18 : memref<!tpu.dma_semaphore, #tpu.memory_space<semaphore_mem>>) src(%dma_wait3A_361 : memref<120xi32, #tpu.memory_space<hbm>>) dst(%arg6 : memref<120xi32, #tpu.memory_space<vmem>>)
        %ge3A = arith.constant 2 : i32
        %ge3A_362 = arith.cmpi sge, %add3A_240, %ge3A : i32
        %convert_element_type3A_363 = arith.extui %ge3A_362 : i1 to i32
        %cond3A_364 = arith.constant 0 : i32
        %cond3A_365 = arith.cmpi ne, %convert_element_type3A_363, %cond3A_364 : i32
        scf.if %cond3A_365 {
          %sub3A_388 = arith.constant 2 : i32
          %sub3A_389 = arith.subi %add3A_240, %sub3A_388 : i32
          %mul3A_390 = arith.constant 120 : i32
          %mul3A_391 = arith.muli %sub3A_389, %mul3A_390 : i32
          %sub3A_392 = arith.constant 120 : i32
          %sub3A_393 = arith.subi %mul3A_12, %sub3A_392 : i32
          %min3A_394 = arith.minsi %mul3A_391, %sub3A_393 : i32
          %add3A_395 = arith.addi %mul3A_6, %min3A_394 : i32
          %dma_wait3A_396 = arith.constant 0 : i32
          %dma_wait3A_397 = tpu.memref_slice %arg5[%add3A_395, %dma_wait3A_396] : memref<625000x128xf32, #tpu.memory_space<hbm>> -> memref<120x128xf32, #tpu.memory_space<hbm>>
          %dma_wait3A_398 = arith.constant 0 : i32
          %dma_wait3A_399 = tpu.memref_slice %arg5[%add3A_395, %dma_wait3A_398] : memref<625000x128xf32, #tpu.memory_space<hbm>> -> memref<120x128xf32, #tpu.memory_space<hbm>>
          tpu.wait_dma2 semaphore(%arg30 : memref<!tpu.dma_semaphore, #tpu.memory_space<semaphore_mem>>) src(%arg10 : memref<120x128xf32, #tpu.memory_space<vmem>>) dst(%dma_wait3A_399 : memref<120x128xf32, #tpu.memory_space<hbm>>)
        } else {
        }
        %add3A_366 = arith.constant 2 : i32
        %add3A_367 = arith.addi %add3A_240, %add3A_366 : i32
        %mul3A_368 = arith.constant 120 : i32
        %mul3A_369 = arith.muli %add3A_367, %mul3A_368 : i32
        %sub3A_370 = arith.constant 120 : i32
        %sub3A_371 = arith.subi %mul3A_12, %sub3A_370 : i32
        %min3A_372 = arith.minsi %mul3A_369, %sub3A_371 : i32
        %add3A_373 = arith.addi %mul3A_6, %min3A_372 : i32
        %dma_start3A_374 = arith.constant 0 : i32
        %dma_start3A_375 = tpu.memref_slice %arg3[%add3A_373, %dma_start3A_374] : memref<625000x128xf32, #tpu.memory_space<hbm>> -> memref<120x128xf32, #tpu.memory_space<hbm>>
        %dma_start3A_376 = arith.constant 0 : i32
        %dma_start3A_377 = tpu.memref_slice %arg3[%add3A_373, %dma_start3A_376] : memref<625000x128xf32, #tpu.memory_space<hbm>> -> memref<120x128xf32, #tpu.memory_space<hbm>>
        tpu.enqueue_dma source(%dma_start3A_377 : memref<120x128xf32, #tpu.memory_space<hbm>>) target(%arg10 : memref<120x128xf32, #tpu.memory_space<vmem>>) target_semaphore(%arg22 : memref<!tpu.dma_semaphore, #tpu.memory_space<semaphore_mem>>)
        %mul3A_378 = arith.constant 120 : i32
        %mul3A_379 = arith.muli %add3A_367, %mul3A_378 : i32
        %sub3A_380 = arith.constant 120 : i32
        %sub3A_381 = arith.subi %mul3A_12, %sub3A_380 : i32
        %min3A_382 = arith.minsi %mul3A_379, %sub3A_381 : i32
        %add3A_383 = arith.addi %mul3A_6, %min3A_382 : i32
        %dma_start3A_384 = arith.constant 0 : i32
        %dma_start3A_385 = tpu.memref_slice %arg3[%add3A_383, %dma_start3A_384] : memref<625000x128xf32, #tpu.memory_space<hbm>> -> memref<120x128xf32, #tpu.memory_space<hbm>>
        %dma_start3A_386 = arith.constant 0 : i32
        %dma_start3A_387 = tpu.memref_slice %arg3[%add3A_383, %dma_start3A_386] : memref<625000x128xf32, #tpu.memory_space<hbm>> -> memref<120x128xf32, #tpu.memory_space<hbm>>
        tpu.enqueue_dma source(%dma_start3A_387 : memref<120x128xf32, #tpu.memory_space<hbm>>) target(%arg14 : memref<120x128xf32, #tpu.memory_space<vmem>>) target_semaphore(%arg26 : memref<!tpu.dma_semaphore, #tpu.memory_space<semaphore_mem>>)
      } else {
      }
      %mul3A_257 = arith.constant 120 : i32
      %mul3A_258 = arith.muli %add3A_240, %mul3A_257 : i32
      %sub3A_259 = arith.constant 120 : i32
      %sub3A_260 = arith.subi %mul3A_12, %sub3A_259 : i32
      %min3A_261 = arith.minsi %mul3A_258, %sub3A_260 : i32
      %add3A_262 = arith.addi %mul3A_6, %min3A_261 : i32
      %dma_wait3A_263 = arith.constant 0 : i32
      %dma_wait3A_264 = tpu.memref_slice %arg3[%add3A_262, %dma_wait3A_263] : memref<625000x128xf32, #tpu.memory_space<hbm>> -> memref<120x128xf32, #tpu.memory_space<hbm>>
      %dma_wait3A_265 = arith.constant 0 : i32
      %dma_wait3A_266 = tpu.memref_slice %arg3[%add3A_262, %dma_wait3A_265] : memref<625000x128xf32, #tpu.memory_space<hbm>> -> memref<120x128xf32, #tpu.memory_space<hbm>>
      tpu.wait_dma2 semaphore(%arg24 : memref<!tpu.dma_semaphore, #tpu.memory_space<semaphore_mem>>) src(%dma_wait3A_266 : memref<120x128xf32, #tpu.memory_space<hbm>>) dst(%arg12 : memref<120x128xf32, #tpu.memory_space<vmem>>)
      %mul3A_267 = arith.constant 120 : i32
      %mul3A_268 = arith.muli %add3A_240, %mul3A_267 : i32
      %sub3A_269 = arith.constant 120 : i32
      %sub3A_270 = arith.subi %mul3A_12, %sub3A_269 : i32
      %min3A_271 = arith.minsi %mul3A_268, %sub3A_270 : i32
      %add3A_272 = arith.addi %mul3A_6, %min3A_271 : i32
      %dma_wait3A_273 = arith.constant 0 : i32
      %dma_wait3A_274 = tpu.memref_slice %arg3[%add3A_272, %dma_wait3A_273] : memref<625000x128xf32, #tpu.memory_space<hbm>> -> memref<120x128xf32, #tpu.memory_space<hbm>>
      %dma_wait3A_275 = arith.constant 0 : i32
      %dma_wait3A_276 = tpu.memref_slice %arg3[%add3A_272, %dma_wait3A_275] : memref<625000x128xf32, #tpu.memory_space<hbm>> -> memref<120x128xf32, #tpu.memory_space<hbm>>
      tpu.wait_dma2 semaphore(%arg28 : memref<!tpu.dma_semaphore, #tpu.memory_space<semaphore_mem>>) src(%dma_wait3A_276 : memref<120x128xf32, #tpu.memory_space<hbm>>) dst(%arg16 : memref<120x128xf32, #tpu.memory_space<vmem>>)
      %scan3A_277 = arith.constant 0 : i32
      %scan3A_278 = arith.constant 0 : i32
      %scan3A_279 = arith.constant 120 : i32
      %scan3A_280 = arith.addi %scan3A_278, %scan3A_279 : i32
      %scan3A_281 = arith.constant 1 : i32
      %scan3A_282 = scf.for %scan3A_352 = %scan3A_278 to %scan3A_280 step %scan3A_281 iter_args(%scan3A_353 = %scan3A_277) -> (i32)  : i32 {
        %get3A = arith.index_cast %scan3A_352 : i32 to index
        %get3A_354 = arith.constant 0 : index
        %get3A_355 = tpu.vector_load %arg12[%get3A, %get3A_354] {strides = array<i32>} : memref<120x128xf32, #tpu.memory_space<vmem>>, vector<1x16xf32>,
        %get3A_356 = vector.shape_cast %get3A_355 : vector<1x16xf32> to vector<16xf32>
        %get3A_357 = arith.index_cast %scan3A_352 : i32 to index
        %get3A_358 = arith.constant 0 : index
        %get3A_359 = tpu.vector_load %arg16[%get3A_357, %get3A_358] {strides = array<i32>} : memref<120x128xf32, #tpu.memory_space<vmem>>, vector<1x16xf32>,
        %get3A_360 = vector.shape_cast %get3A_359 : vector<1x16xf32> to vector<16xf32>
        %add3A_361 = arith.addf %get3A_356, %get3A_360 : vector<16xf32>
        %swap3A = arith.index_cast %scan3A_352 : i32 to index
        %swap3A_362 = arith.constant 0 : index
        %swap3A_363 = tpu.vector_load %arg12[%swap3A, %swap3A_362] {strides = array<i32>} : memref<120x128xf32, #tpu.memory_space<vmem>>, vector<1x16xf32>,
        %swap3A_364 = vector.shape_cast %swap3A_363 : vector<1x16xf32> to vector<16xf32>
        %swap3A_365 = vector.shape_cast %add3A_361 : vector<16xf32> to vector<1x16xf32>
        tpu.vector_store %arg12[%swap3A, %swap3A_362], %swap3A_365 {strides = array<i32>} : memref<120x128xf32, #tpu.memory_space<vmem>>, vector<1x16xf32>,
        %get3A_366 = arith.index_cast %scan3A_352 : i32 to index
        %get3A_367 = arith.constant 16 : index
        %get3A_368 = tpu.vector_load %arg12[%get3A_366, %get3A_367] {strides = array<i32>} : memref<120x128xf32, #tpu.memory_space<vmem>>, vector<1x16xf32>,
        %get3A_369 = vector.shape_cast %get3A_368 : vector<1x16xf32> to vector<16xf32>
        %get3A_370 = arith.index_cast %scan3A_352 : i32 to index
        %get3A_371 = arith.constant 16 : index
        %get3A_372 = tpu.vector_load %arg16[%get3A_370, %get3A_371] {strides = array<i32>} : memref<120x128xf32, #tpu.memory_space<vmem>>, vector<1x16xf32>,
        %get3A_373 = vector.shape_cast %get3A_372 : vector<1x16xf32> to vector<16xf32>
        %add3A_374 = arith.addf %get3A_369, %get3A_373 : vector<16xf32>
        %swap3A_375 = arith.index_cast %scan3A_352 : i32 to index
        %swap3A_376 = arith.constant 16 : index
        %swap3A_377 = tpu.vector_load %arg12[%swap3A_375, %swap3A_376] {strides = array<i32>} : memref<120x128xf32, #tpu.memory_space<vmem>>, vector<1x16xf32>,
        %swap3A_378 = vector.shape_cast %swap3A_377 : vector<1x16xf32> to vector<16xf32>
        %swap3A_379 = vector.shape_cast %add3A_374 : vector<16xf32> to vector<1x16xf32>
        tpu.vector_store %arg12[%swap3A_375, %swap3A_376], %swap3A_379 {strides = array<i32>} : memref<120x128xf32, #tpu.memory_space<vmem>>, vector<1x16xf32>,
        %get3A_380 = arith.index_cast %scan3A_352 : i32 to index
        %get3A_381 = arith.constant 32 : index
        %get3A_382 = tpu.vector_load %arg12[%get3A_380, %get3A_381] {strides = array<i32>} : memref<120x128xf32, #tpu.memory_space<vmem>>, vector<1x16xf32>,
        %get3A_383 = vector.shape_cast %get3A_382 : vector<1x16xf32> to vector<16xf32>
        %get3A_384 = arith.index_cast %scan3A_352 : i32 to index
        %get3A_385 = arith.constant 32 : index
        %get3A_386 = tpu.vector_load %arg16[%get3A_384, %get3A_385] {strides = array<i32>} : memref<120x128xf32, #tpu.memory_space<vmem>>, vector<1x16xf32>,
        %get3A_387 = vector.shape_cast %get3A_386 : vector<1x16xf32> to vector<16xf32>
        %add3A_388 = arith.addf %get3A_383, %get3A_387 : vector<16xf32>
        %swap3A_389 = arith.index_cast %scan3A_352 : i32 to index
        %swap3A_390 = arith.constant 32 : index
        %swap3A_391 = tpu.vector_load %arg12[%swap3A_389, %swap3A_390] {strides = array<i32>} : memref<120x128xf32, #tpu.memory_space<vmem>>, vector<1x16xf32>,
        %swap3A_392 = vector.shape_cast %swap3A_391 : vector<1x16xf32> to vector<16xf32>
        %swap3A_393 = vector.shape_cast %add3A_388 : vector<16xf32> to vector<1x16xf32>
        tpu.vector_store %arg12[%swap3A_389, %swap3A_390], %swap3A_393 {strides = array<i32>} : memref<120x128xf32, #tpu.memory_space<vmem>>, vector<1x16xf32>,
        %get3A_394 = arith.index_cast %scan3A_352 : i32 to index
        %get3A_395 = arith.constant 48 : index
        %get3A_396 = tpu.vector_load %arg12[%get3A_394, %get3A_395] {strides = array<i32>} : memref<120x128xf32, #tpu.memory_space<vmem>>, vector<1x16xf32>,
        %get3A_397 = vector.shape_cast %get3A_396 : vector<1x16xf32> to vector<16xf32>
        %get3A_398 = arith.index_cast %scan3A_352 : i32 to index
        %get3A_399 = arith.constant 48 : index
        %get3A_400 = tpu.vector_load %arg16[%get3A_398, %get3A_399] {strides = array<i32>} : memref<120x128xf32, #tpu.memory_space<vmem>>, vector<1x16xf32>,
        %get3A_401 = vector.shape_cast %get3A_400 : vector<1x16xf32> to vector<16xf32>
        %add3A_402 = arith.addf %get3A_397, %get3A_401 : vector<16xf32>
        %swap3A_403 = arith.index_cast %scan3A_352 : i32 to index
        %swap3A_404 = arith.constant 48 : index
        %swap3A_405 = tpu.vector_load %arg12[%swap3A_403, %swap3A_404] {strides = array<i32>} : memref<120x128xf32, #tpu.memory_space<vmem>>, vector<1x16xf32>,
        %swap3A_406 = vector.shape_cast %swap3A_405 : vector<1x16xf32> to vector<16xf32>
        %swap3A_407 = vector.shape_cast %add3A_402 : vector<16xf32> to vector<1x16xf32>
        tpu.vector_store %arg12[%swap3A_403, %swap3A_404], %swap3A_407 {strides = array<i32>} : memref<120x128xf32, #tpu.memory_space<vmem>>, vector<1x16xf32>,
        %get3A_408 = arith.index_cast %scan3A_352 : i32 to index
        %get3A_409 = arith.constant 64 : index
        %get3A_410 = tpu.vector_load %arg12[%get3A_408, %get3A_409] {strides = array<i32>} : memref<120x128xf32, #tpu.memory_space<vmem>>, vector<1x16xf32>,
        %get3A_411 = vector.shape_cast %get3A_410 : vector<1x16xf32> to vector<16xf32>
        %get3A_412 = arith.index_cast %scan3A_352 : i32 to index
        %get3A_413 = arith.constant 64 : index
        %get3A_414 = tpu.vector_load %arg16[%get3A_412, %get3A_413] {strides = array<i32>} : memref<120x128xf32, #tpu.memory_space<vmem>>, vector<1x16xf32>,
        %get3A_415 = vector.shape_cast %get3A_414 : vector<1x16xf32> to vector<16xf32>
        %add3A_416 = arith.addf %get3A_411, %get3A_415 : vector<16xf32>
        %swap3A_417 = arith.index_cast %scan3A_352 : i32 to index
        %swap3A_418 = arith.constant 64 : index
        %swap3A_419 = tpu.vector_load %arg12[%swap3A_417, %swap3A_418] {strides = array<i32>} : memref<120x128xf32, #tpu.memory_space<vmem>>, vector<1x16xf32>,
        %swap3A_420 = vector.shape_cast %swap3A_419 : vector<1x16xf32> to vector<16xf32>
        %swap3A_421 = vector.shape_cast %add3A_416 : vector<16xf32> to vector<1x16xf32>
        tpu.vector_store %arg12[%swap3A_417, %swap3A_418], %swap3A_421 {strides = array<i32>} : memref<120x128xf32, #tpu.memory_space<vmem>>, vector<1x16xf32>,
        %get3A_422 = arith.index_cast %scan3A_352 : i32 to index
        %get3A_423 = arith.constant 80 : index
        %get3A_424 = tpu.vector_load %arg12[%get3A_422, %get3A_423] {strides = array<i32>} : memref<120x128xf32, #tpu.memory_space<vmem>>, vector<1x16xf32>,
        %get3A_425 = vector.shape_cast %get3A_424 : vector<1x16xf32> to vector<16xf32>
        %get3A_426 = arith.index_cast %scan3A_352 : i32 to index
        %get3A_427 = arith.constant 80 : index
        %get3A_428 = tpu.vector_load %arg16[%get3A_426, %get3A_427] {strides = array<i32>} : memref<120x128xf32, #tpu.memory_space<vmem>>, vector<1x16xf32>,
        %get3A_429 = vector.shape_cast %get3A_428 : vector<1x16xf32> to vector<16xf32>
        %add3A_430 = arith.addf %get3A_425, %get3A_429 : vector<16xf32>
        %swap3A_431 = arith.index_cast %scan3A_352 : i32 to index
        %swap3A_432 = arith.constant 80 : index
        %swap3A_433 = tpu.vector_load %arg12[%swap3A_431, %swap3A_432] {strides = array<i32>} : memref<120x128xf32, #tpu.memory_space<vmem>>, vector<1x16xf32>,
        %swap3A_434 = vector.shape_cast %swap3A_433 : vector<1x16xf32> to vector<16xf32>
        %swap3A_435 = vector.shape_cast %add3A_430 : vector<16xf32> to vector<1x16xf32>
        tpu.vector_store %arg12[%swap3A_431, %swap3A_432], %swap3A_435 {strides = array<i32>} : memref<120x128xf32, #tpu.memory_space<vmem>>, vector<1x16xf32>,
        %get3A_436 = arith.index_cast %scan3A_352 : i32 to index
        %get3A_437 = arith.constant 96 : index
        %get3A_438 = tpu.vector_load %arg12[%get3A_436, %get3A_437] {strides = array<i32>} : memref<120x128xf32, #tpu.memory_space<vmem>>, vector<1x16xf32>,
        %get3A_439 = vector.shape_cast %get3A_438 : vector<1x16xf32> to vector<16xf32>
        %get3A_440 = arith.index_cast %scan3A_352 : i32 to index
        %get3A_441 = arith.constant 96 : index
        %get3A_442 = tpu.vector_load %arg16[%get3A_440, %get3A_441] {strides = array<i32>} : memref<120x128xf32, #tpu.memory_space<vmem>>, vector<1x16xf32>,
        %get3A_443 = vector.shape_cast %get3A_442 : vector<1x16xf32> to vector<16xf32>
        %add3A_444 = arith.addf %get3A_439, %get3A_443 : vector<16xf32>
        %swap3A_445 = arith.index_cast %scan3A_352 : i32 to index
        %swap3A_446 = arith.constant 96 : index
        %swap3A_447 = tpu.vector_load %arg12[%swap3A_445, %swap3A_446] {strides = array<i32>} : memref<120x128xf32, #tpu.memory_space<vmem>>, vector<1x16xf32>,
        %swap3A_448 = vector.shape_cast %swap3A_447 : vector<1x16xf32> to vector<16xf32>
        %swap3A_449 = vector.shape_cast %add3A_444 : vector<16xf32> to vector<1x16xf32>
        tpu.vector_store %arg12[%swap3A_445, %swap3A_446], %swap3A_449 {strides = array<i32>} : memref<120x128xf32, #tpu.memory_space<vmem>>, vector<1x16xf32>,
        %get3A_450 = arith.index_cast %scan3A_352 : i32 to index
        %get3A_451 = arith.constant 112 : index
        %get3A_452 = tpu.vector_load %arg12[%get3A_450, %get3A_451] {strides = array<i32>} : memref<120x128xf32, #tpu.memory_space<vmem>>, vector<1x16xf32>,
        %get3A_453 = vector.shape_cast %get3A_452 : vector<1x16xf32> to vector<16xf32>
        %get3A_454 = arith.index_cast %scan3A_352 : i32 to index
        %get3A_455 = arith.constant 112 : index
        %get3A_456 = tpu.vector_load %arg16[%get3A_454, %get3A_455] {strides = array<i32>} : memref<120x128xf32, #tpu.memory_space<vmem>>, vector<1x16xf32>,
        %get3A_457 = vector.shape_cast %get3A_456 : vector<1x16xf32> to vector<16xf32>
        %add3A_458 = arith.addf %get3A_453, %get3A_457 : vector<16xf32>
        %swap3A_459 = arith.index_cast %scan3A_352 : i32 to index
        %swap3A_460 = arith.constant 112 : index
        %swap3A_461 = tpu.vector_load %arg12[%swap3A_459, %swap3A_460] {strides = array<i32>} : memref<120x128xf32, #tpu.memory_space<vmem>>, vector<1x16xf32>,
        %swap3A_462 = vector.shape_cast %swap3A_461 : vector<1x16xf32> to vector<16xf32>
        %swap3A_463 = vector.shape_cast %add3A_458 : vector<16xf32> to vector<1x16xf32>
        tpu.vector_store %arg12[%swap3A_459, %swap3A_460], %swap3A_463 {strides = array<i32>} : memref<120x128xf32, #tpu.memory_space<vmem>>, vector<1x16xf32>,
        %scan3A_464 = arith.constant 0 : i32
        scf.yield %scan3A_464 : i32
      }
      %scan3A_283 = arith.constant 120 : i32
      %mul3A_284 = arith.constant 120 : i32
      %mul3A_285 = arith.muli %add3A_240, %mul3A_284 : i32
      %sub3A_286 = arith.constant 120 : i32
      %sub3A_287 = arith.subi %mul3A_12, %sub3A_286 : i32
      %min3A_288 = arith.minsi %mul3A_285, %sub3A_287 : i32
      %add3A_289 = arith.addi %mul3A_6, %min3A_288 : i32
      %dma_start3A_290 = arith.constant 0 : i32
      %dma_start3A_291 = tpu.memref_slice %arg5[%add3A_289, %dma_start3A_290] : memref<625000x128xf32, #tpu.memory_space<hbm>> -> memref<120x128xf32, #tpu.memory_space<hbm>>
      %dma_start3A_292 = arith.constant 0 : i32
      %dma_start3A_293 = tpu.memref_slice %arg5[%add3A_289, %dma_start3A_292] : memref<625000x128xf32, #tpu.memory_space<hbm>> -> memref<120x128xf32, #tpu.memory_space<hbm>>
      tpu.enqueue_dma source(%arg12 : memref<120x128xf32, #tpu.memory_space<vmem>>) target(%dma_start3A_293 : memref<120x128xf32, #tpu.memory_space<hbm>>) target_semaphore(%arg32 : memref<!tpu.dma_semaphore, #tpu.memory_space<semaphore_mem>>)
      %mul3A_294 = arith.constant 4 : i32
      %mul3A_295 = arith.muli %scan3A_123, %mul3A_294 : i32
      %add3A_296 = arith.constant 3 : i32
      %add3A_297 = arith.addi %mul3A_295, %add3A_296 : i32
      %add3A_298 = arith.constant 2 : i32
      %add3A_299 = arith.addi %add3A_297, %add3A_298 : i32
      %add3A_300 = arith.constant 1 : i32
      %add3A_301 = arith.addi %add3A_299, %add3A_300 : i32
      %lt3A_302 = arith.constant 164 : i32
      %lt3A_303 = arith.cmpi slt, %add3A_301, %lt3A_302 : i32
      %convert_element_type3A_304 = arith.extui %lt3A_303 : i1 to i32
      %cond3A_305 = arith.constant 0 : i32
      %cond3A_306 = arith.cmpi ne, %convert_element_type3A_304, %cond3A_305 : i32
      scf.if %cond3A_306 {
        %add3A_352 = arith.constant 2 : i32
        %add3A_353 = arith.addi %add3A_297, %add3A_352 : i32
        %add3A_354 = arith.constant 1 : i32
        %add3A_355 = arith.addi %add3A_353, %add3A_354 : i32
        %mul3A_356 = arith.constant 120 : i32
        %mul3A_357 = arith.muli %add3A_355, %mul3A_356 : i32
        %sub3A_358 = arith.constant 120 : i32
        %sub3A_359 = arith.subi %mul3A_12, %sub3A_358 : i32
        %min3A_360 = arith.minsi %mul3A_357, %sub3A_359 : i32
        %add3A_361 = arith.addi %mul3A_6, %min3A_360 : i32
        %dma_start3A_362 = tpu.memref_slice %arg2[%add3A_361] : memref<625000xi32, #tpu.memory_space<hbm>> -> memref<120xi32, #tpu.memory_space<hbm>>
        %dma_start3A_363 = tpu.memref_slice %arg2[%add3A_361] : memref<625000xi32, #tpu.memory_space<hbm>> -> memref<120xi32, #tpu.memory_space<hbm>>
        tpu.enqueue_dma source(%dma_start3A_363 : memref<120xi32, #tpu.memory_space<hbm>>) target(%arg8 : memref<120xi32, #tpu.memory_space<vmem>>) target_semaphore(%arg20 : memref<!tpu.dma_semaphore, #tpu.memory_space<semaphore_mem>>)
      } else {
      }
      %add3A_307 = arith.constant 2 : i32
      %add3A_308 = arith.addi %add3A_297, %add3A_307 : i32
      %lt3A_309 = arith.constant 164 : i32
      %lt3A_310 = arith.cmpi slt, %add3A_308, %lt3A_309 : i32
      %convert_element_type3A_311 = arith.extui %lt3A_310 : i1 to i32
      %cond3A_312 = arith.constant 0 : i32
      %cond3A_313 = arith.cmpi ne, %convert_element_type3A_311, %cond3A_312 : i32
      scf.if %cond3A_313 {
        %add3A_352 = arith.constant 2 : i32
        %add3A_353 = arith.addi %add3A_297, %add3A_352 : i32
        %mul3A_354 = arith.constant 120 : i32
        %mul3A_355 = arith.muli %add3A_353, %mul3A_354 : i32
        %sub3A_356 = arith.constant 120 : i32
        %sub3A_357 = arith.subi %mul3A_12, %sub3A_356 : i32
        %min3A_358 = arith.minsi %mul3A_355, %sub3A_357 : i32
        %add3A_359 = arith.addi %mul3A_6, %min3A_358 : i32
        %dma_wait3A_360 = tpu.memref_slice %arg2[%add3A_359] : memref<625000xi32, #tpu.memory_space<hbm>> -> memref<120xi32, #tpu.memory_space<hbm>>
        %dma_wait3A_361 = tpu.memref_slice %arg2[%add3A_359] : memref<625000xi32, #tpu.memory_space<hbm>> -> memref<120xi32, #tpu.memory_space<hbm>>
        tpu.wait_dma2 semaphore(%arg19 : memref<!tpu.dma_semaphore, #tpu.memory_space<semaphore_mem>>) src(%dma_wait3A_361 : memref<120xi32, #tpu.memory_space<hbm>>) dst(%arg7 : memref<120xi32, #tpu.memory_space<vmem>>)
        %ge3A = arith.constant 2 : i32
        %ge3A_362 = arith.cmpi sge, %add3A_297, %ge3A : i32
        %convert_element_type3A_363 = arith.extui %ge3A_362 : i1 to i32
        %cond3A_364 = arith.constant 0 : i32
        %cond3A_365 = arith.cmpi ne, %convert_element_type3A_363, %cond3A_364 : i32
        scf.if %cond3A_365 {
          %sub3A_388 = arith.constant 2 : i32
          %sub3A_389 = arith.subi %add3A_297, %sub3A_388 : i32
          %mul3A_390 = arith.constant 120 : i32
          %mul3A_391 = arith.muli %sub3A_389, %mul3A_390 : i32
          %sub3A_392 = arith.constant 120 : i32
          %sub3A_393 = arith.subi %mul3A_12, %sub3A_392 : i32
          %min3A_394 = arith.minsi %mul3A_391, %sub3A_393 : i32
          %add3A_395 = arith.addi %mul3A_6, %min3A_394 : i32
          %dma_wait3A_396 = arith.constant 0 : i32
          %dma_wait3A_397 = tpu.memref_slice %arg5[%add3A_395, %dma_wait3A_396] : memref<625000x128xf32, #tpu.memory_space<hbm>> -> memref<120x128xf32, #tpu.memory_space<hbm>>
          %dma_wait3A_398 = arith.constant 0 : i32
          %dma_wait3A_399 = tpu.memref_slice %arg5[%add3A_395, %dma_wait3A_398] : memref<625000x128xf32, #tpu.memory_space<hbm>> -> memref<120x128xf32, #tpu.memory_space<hbm>>
          tpu.wait_dma2 semaphore(%arg31 : memref<!tpu.dma_semaphore, #tpu.memory_space<semaphore_mem>>) src(%arg11 : memref<120x128xf32, #tpu.memory_space<vmem>>) dst(%dma_wait3A_399 : memref<120x128xf32, #tpu.memory_space<hbm>>)
        } else {
        }
        %add3A_366 = arith.constant 2 : i32
        %add3A_367 = arith.addi %add3A_297, %add3A_366 : i32
        %mul3A_368 = arith.constant 120 : i32
        %mul3A_369 = arith.muli %add3A_367, %mul3A_368 : i32
        %sub3A_370 = arith.constant 120 : i32
        %sub3A_371 = arith.subi %mul3A_12, %sub3A_370 : i32
        %min3A_372 = arith.minsi %mul3A_369, %sub3A_371 : i32
        %add3A_373 = arith.addi %mul3A_6, %min3A_372 : i32
        %dma_start3A_374 = arith.constant 0 : i32
        %dma_start3A_375 = tpu.memref_slice %arg3[%add3A_373, %dma_start3A_374] : memref<625000x128xf32, #tpu.memory_space<hbm>> -> memref<120x128xf32, #tpu.memory_space<hbm>>
        %dma_start3A_376 = arith.constant 0 : i32
        %dma_start3A_377 = tpu.memref_slice %arg3[%add3A_373, %dma_start3A_376] : memref<625000x128xf32, #tpu.memory_space<hbm>> -> memref<120x128xf32, #tpu.memory_space<hbm>>
        tpu.enqueue_dma source(%dma_start3A_377 : memref<120x128xf32, #tpu.memory_space<hbm>>) target(%arg11 : memref<120x128xf32, #tpu.memory_space<vmem>>) target_semaphore(%arg23 : memref<!tpu.dma_semaphore, #tpu.memory_space<semaphore_mem>>)
        %mul3A_378 = arith.constant 120 : i32
        %mul3A_379 = arith.muli %add3A_367, %mul3A_378 : i32
        %sub3A_380 = arith.constant 120 : i32
        %sub3A_381 = arith.subi %mul3A_12, %sub3A_380 : i32
        %min3A_382 = arith.minsi %mul3A_379, %sub3A_381 : i32
        %add3A_383 = arith.addi %mul3A_6, %min3A_382 : i32
        %dma_start3A_384 = arith.constant 0 : i32
        %dma_start3A_385 = tpu.memref_slice %arg3[%add3A_383, %dma_start3A_384] : memref<625000x128xf32, #tpu.memory_space<hbm>> -> memref<120x128xf32, #tpu.memory_space<hbm>>
        %dma_start3A_386 = arith.constant 0 : i32
        %dma_start3A_387 = tpu.memref_slice %arg3[%add3A_383, %dma_start3A_386] : memref<625000x128xf32, #tpu.memory_space<hbm>> -> memref<120x128xf32, #tpu.memory_space<hbm>>
        tpu.enqueue_dma source(%dma_start3A_387 : memref<120x128xf32, #tpu.memory_space<hbm>>) target(%arg15 : memref<120x128xf32, #tpu.memory_space<vmem>>) target_semaphore(%arg27 : memref<!tpu.dma_semaphore, #tpu.memory_space<semaphore_mem>>)
      } else {
      }
      %mul3A_314 = arith.constant 120 : i32
      %mul3A_315 = arith.muli %add3A_297, %mul3A_314 : i32
      %sub3A_316 = arith.constant 120 : i32
      %sub3A_317 = arith.subi %mul3A_12, %sub3A_316 : i32
      %min3A_318 = arith.minsi %mul3A_315, %sub3A_317 : i32
      %add3A_319 = arith.addi %mul3A_6, %min3A_318 : i32
      %dma_wait3A_320 = arith.constant 0 : i32
      %dma_wait3A_321 = tpu.memref_slice %arg3[%add3A_319, %dma_wait3A_320] : memref<625000x128xf32, #tpu.memory_space<hbm>> -> memref<120x128xf32, #tpu.memory_space<hbm>>
      %dma_wait3A_322 = arith.constant 0 : i32
      %dma_wait3A_323 = tpu.memref_slice %arg3[%add3A_319, %dma_wait3A_322] : memref<625000x128xf32, #tpu.memory_space<hbm>> -> memref<120x128xf32, #tpu.memory_space<hbm>>
      tpu.wait_dma2 semaphore(%arg25 : memref<!tpu.dma_semaphore, #tpu.memory_space<semaphore_mem>>) src(%dma_wait3A_323 : memref<120x128xf32, #tpu.memory_space<hbm>>) dst(%arg13 : memref<120x128xf32, #tpu.memory_space<vmem>>)
      %mul3A_324 = arith.constant 120 : i32
      %mul3A_325 = arith.muli %add3A_297, %mul3A_324 : i32
      %sub3A_326 = arith.constant 120 : i32
      %sub3A_327 = arith.subi %mul3A_12, %sub3A_326 : i32
      %min3A_328 = arith.minsi %mul3A_325, %sub3A_327 : i32
      %add3A_329 = arith.addi %mul3A_6, %min3A_328 : i32
      %dma_wait3A_330 = arith.constant 0 : i32
      %dma_wait3A_331 = tpu.memref_slice %arg3[%add3A_329, %dma_wait3A_330] : memref<625000x128xf32, #tpu.memory_space<hbm>> -> memref<120x128xf32, #tpu.memory_space<hbm>>
      %dma_wait3A_332 = arith.constant 0 : i32
      %dma_wait3A_333 = tpu.memref_slice %arg3[%add3A_329, %dma_wait3A_332] : memref<625000x128xf32, #tpu.memory_space<hbm>> -> memref<120x128xf32, #tpu.memory_space<hbm>>
      tpu.wait_dma2 semaphore(%arg29 : memref<!tpu.dma_semaphore, #tpu.memory_space<semaphore_mem>>) src(%dma_wait3A_333 : memref<120x128xf32, #tpu.memory_space<hbm>>) dst(%arg17 : memref<120x128xf32, #tpu.memory_space<vmem>>)
      %scan3A_334 = arith.constant 0 : i32
      %scan3A_335 = arith.constant 0 : i32
      %scan3A_336 = arith.constant 120 : i32
      %scan3A_337 = arith.addi %scan3A_335, %scan3A_336 : i32
      %scan3A_338 = arith.constant 1 : i32
      %scan3A_339 = scf.for %scan3A_352 = %scan3A_335 to %scan3A_337 step %scan3A_338 iter_args(%scan3A_353 = %scan3A_334) -> (i32)  : i32 {
        %get3A = arith.index_cast %scan3A_352 : i32 to index
        %get3A_354 = arith.constant 0 : index
        %get3A_355 = tpu.vector_load %arg13[%get3A, %get3A_354] {strides = array<i32>} : memref<120x128xf32, #tpu.memory_space<vmem>>, vector<1x16xf32>,
        %get3A_356 = vector.shape_cast %get3A_355 : vector<1x16xf32> to vector<16xf32>
        %get3A_357 = arith.index_cast %scan3A_352 : i32 to index
        %get3A_358 = arith.constant 0 : index
        %get3A_359 = tpu.vector_load %arg17[%get3A_357, %get3A_358] {strides = array<i32>} : memref<120x128xf32, #tpu.memory_space<vmem>>, vector<1x16xf32>,
        %get3A_360 = vector.shape_cast %get3A_359 : vector<1x16xf32> to vector<16xf32>
        %add3A_361 = arith.addf %get3A_356, %get3A_360 : vector<16xf32>
        %swap3A = arith.index_cast %scan3A_352 : i32 to index
        %swap3A_362 = arith.constant 0 : index
        %swap3A_363 = tpu.vector_load %arg13[%swap3A, %swap3A_362] {strides = array<i32>} : memref<120x128xf32, #tpu.memory_space<vmem>>, vector<1x16xf32>,
        %swap3A_364 = vector.shape_cast %swap3A_363 : vector<1x16xf32> to vector<16xf32>
        %swap3A_365 = vector.shape_cast %add3A_361 : vector<16xf32> to vector<1x16xf32>
        tpu.vector_store %arg13[%swap3A, %swap3A_362], %swap3A_365 {strides = array<i32>} : memref<120x128xf32, #tpu.memory_space<vmem>>, vector<1x16xf32>,
        %get3A_366 = arith.index_cast %scan3A_352 : i32 to index
        %get3A_367 = arith.constant 16 : index
        %get3A_368 = tpu.vector_load %arg13[%get3A_366, %get3A_367] {strides = array<i32>} : memref<120x128xf32, #tpu.memory_space<vmem>>, vector<1x16xf32>,
        %get3A_369 = vector.shape_cast %get3A_368 : vector<1x16xf32> to vector<16xf32>
        %get3A_370 = arith.index_cast %scan3A_352 : i32 to index
        %get3A_371 = arith.constant 16 : index
        %get3A_372 = tpu.vector_load %arg17[%get3A_370, %get3A_371] {strides = array<i32>} : memref<120x128xf32, #tpu.memory_space<vmem>>, vector<1x16xf32>,
        %get3A_373 = vector.shape_cast %get3A_372 : vector<1x16xf32> to vector<16xf32>
        %add3A_374 = arith.addf %get3A_369, %get3A_373 : vector<16xf32>
        %swap3A_375 = arith.index_cast %scan3A_352 : i32 to index
        %swap3A_376 = arith.constant 16 : index
        %swap3A_377 = tpu.vector_load %arg13[%swap3A_375, %swap3A_376] {strides = array<i32>} : memref<120x128xf32, #tpu.memory_space<vmem>>, vector<1x16xf32>,
        %swap3A_378 = vector.shape_cast %swap3A_377 : vector<1x16xf32> to vector<16xf32>
        %swap3A_379 = vector.shape_cast %add3A_374 : vector<16xf32> to vector<1x16xf32>
        tpu.vector_store %arg13[%swap3A_375, %swap3A_376], %swap3A_379 {strides = array<i32>} : memref<120x128xf32, #tpu.memory_space<vmem>>, vector<1x16xf32>,
        %get3A_380 = arith.index_cast %scan3A_352 : i32 to index
        %get3A_381 = arith.constant 32 : index
        %get3A_382 = tpu.vector_load %arg13[%get3A_380, %get3A_381] {strides = array<i32>} : memref<120x128xf32, #tpu.memory_space<vmem>>, vector<1x16xf32>,
        %get3A_383 = vector.shape_cast %get3A_382 : vector<1x16xf32> to vector<16xf32>
        %get3A_384 = arith.index_cast %scan3A_352 : i32 to index
        %get3A_385 = arith.constant 32 : index
        %get3A_386 = tpu.vector_load %arg17[%get3A_384, %get3A_385] {strides = array<i32>} : memref<120x128xf32, #tpu.memory_space<vmem>>, vector<1x16xf32>,
        %get3A_387 = vector.shape_cast %get3A_386 : vector<1x16xf32> to vector<16xf32>
        %add3A_388 = arith.addf %get3A_383, %get3A_387 : vector<16xf32>
        %swap3A_389 = arith.index_cast %scan3A_352 : i32 to index
        %swap3A_390 = arith.constant 32 : index
        %swap3A_391 = tpu.vector_load %arg13[%swap3A_389, %swap3A_390] {strides = array<i32>} : memref<120x128xf32, #tpu.memory_space<vmem>>, vector<1x16xf32>,
        %swap3A_392 = vector.shape_cast %swap3A_391 : vector<1x16xf32> to vector<16xf32>
        %swap3A_393 = vector.shape_cast %add3A_388 : vector<16xf32> to vector<1x16xf32>
        tpu.vector_store %arg13[%swap3A_389, %swap3A_390], %swap3A_393 {strides = array<i32>} : memref<120x128xf32, #tpu.memory_space<vmem>>, vector<1x16xf32>,
        %get3A_394 = arith.index_cast %scan3A_352 : i32 to index
        %get3A_395 = arith.constant 48 : index
        %get3A_396 = tpu.vector_load %arg13[%get3A_394, %get3A_395] {strides = array<i32>} : memref<120x128xf32, #tpu.memory_space<vmem>>, vector<1x16xf32>,
        %get3A_397 = vector.shape_cast %get3A_396 : vector<1x16xf32> to vector<16xf32>
        %get3A_398 = arith.index_cast %scan3A_352 : i32 to index
        %get3A_399 = arith.constant 48 : index
        %get3A_400 = tpu.vector_load %arg17[%get3A_398, %get3A_399] {strides = array<i32>} : memref<120x128xf32, #tpu.memory_space<vmem>>, vector<1x16xf32>,
        %get3A_401 = vector.shape_cast %get3A_400 : vector<1x16xf32> to vector<16xf32>
        %add3A_402 = arith.addf %get3A_397, %get3A_401 : vector<16xf32>
        %swap3A_403 = arith.index_cast %scan3A_352 : i32 to index
        %swap3A_404 = arith.constant 48 : index
        %swap3A_405 = tpu.vector_load %arg13[%swap3A_403, %swap3A_404] {strides = array<i32>} : memref<120x128xf32, #tpu.memory_space<vmem>>, vector<1x16xf32>,
        %swap3A_406 = vector.shape_cast %swap3A_405 : vector<1x16xf32> to vector<16xf32>
        %swap3A_407 = vector.shape_cast %add3A_402 : vector<16xf32> to vector<1x16xf32>
        tpu.vector_store %arg13[%swap3A_403, %swap3A_404], %swap3A_407 {strides = array<i32>} : memref<120x128xf32, #tpu.memory_space<vmem>>, vector<1x16xf32>,
        %get3A_408 = arith.index_cast %scan3A_352 : i32 to index
        %get3A_409 = arith.constant 64 : index
        %get3A_410 = tpu.vector_load %arg13[%get3A_408, %get3A_409] {strides = array<i32>} : memref<120x128xf32, #tpu.memory_space<vmem>>, vector<1x16xf32>,
        %get3A_411 = vector.shape_cast %get3A_410 : vector<1x16xf32> to vector<16xf32>
        %get3A_412 = arith.index_cast %scan3A_352 : i32 to index
        %get3A_413 = arith.constant 64 : index
        %get3A_414 = tpu.vector_load %arg17[%get3A_412, %get3A_413] {strides = array<i32>} : memref<120x128xf32, #tpu.memory_space<vmem>>, vector<1x16xf32>,
        %get3A_415 = vector.shape_cast %get3A_414 : vector<1x16xf32> to vector<16xf32>
        %add3A_416 = arith.addf %get3A_411, %get3A_415 : vector<16xf32>
        %swap3A_417 = arith.index_cast %scan3A_352 : i32 to index
        %swap3A_418 = arith.constant 64 : index
        %swap3A_419 = tpu.vector_load %arg13[%swap3A_417, %swap3A_418] {strides = array<i32>} : memref<120x128xf32, #tpu.memory_space<vmem>>, vector<1x16xf32>,
        %swap3A_420 = vector.shape_cast %swap3A_419 : vector<1x16xf32> to vector<16xf32>
        %swap3A_421 = vector.shape_cast %add3A_416 : vector<16xf32> to vector<1x16xf32>
        tpu.vector_store %arg13[%swap3A_417, %swap3A_418], %swap3A_421 {strides = array<i32>} : memref<120x128xf32, #tpu.memory_space<vmem>>, vector<1x16xf32>,
        %get3A_422 = arith.index_cast %scan3A_352 : i32 to index
        %get3A_423 = arith.constant 80 : index
        %get3A_424 = tpu.vector_load %arg13[%get3A_422, %get3A_423] {strides = array<i32>} : memref<120x128xf32, #tpu.memory_space<vmem>>, vector<1x16xf32>,
        %get3A_425 = vector.shape_cast %get3A_424 : vector<1x16xf32> to vector<16xf32>
        %get3A_426 = arith.index_cast %scan3A_352 : i32 to index
        %get3A_427 = arith.constant 80 : index
        %get3A_428 = tpu.vector_load %arg17[%get3A_426, %get3A_427] {strides = array<i32>} : memref<120x128xf32, #tpu.memory_space<vmem>>, vector<1x16xf32>,
        %get3A_429 = vector.shape_cast %get3A_428 : vector<1x16xf32> to vector<16xf32>
        %add3A_430 = arith.addf %get3A_425, %get3A_429 : vector<16xf32>
        %swap3A_431 = arith.index_cast %scan3A_352 : i32 to index
        %swap3A_432 = arith.constant 80 : index
        %swap3A_433 = tpu.vector_load %arg13[%swap3A_431, %swap3A_432] {strides = array<i32>} : memref<120x128xf32, #tpu.memory_space<vmem>>, vector<1x16xf32>,
        %swap3A_434 = vector.shape_cast %swap3A_433 : vector<1x16xf32> to vector<16xf32>
        %swap3A_435 = vector.shape_cast %add3A_430 : vector<16xf32> to vector<1x16xf32>
        tpu.vector_store %arg13[%swap3A_431, %swap3A_432], %swap3A_435 {strides = array<i32>} : memref<120x128xf32, #tpu.memory_space<vmem>>, vector<1x16xf32>,
        %get3A_436 = arith.index_cast %scan3A_352 : i32 to index
        %get3A_437 = arith.constant 96 : index
        %get3A_438 = tpu.vector_load %arg13[%get3A_436, %get3A_437] {strides = array<i32>} : memref<120x128xf32, #tpu.memory_space<vmem>>, vector<1x16xf32>,
        %get3A_439 = vector.shape_cast %get3A_438 : vector<1x16xf32> to vector<16xf32>
        %get3A_440 = arith.index_cast %scan3A_352 : i32 to index
        %get3A_441 = arith.constant 96 : index
        %get3A_442 = tpu.vector_load %arg17[%get3A_440, %get3A_441] {strides = array<i32>} : memref<120x128xf32, #tpu.memory_space<vmem>>, vector<1x16xf32>,
        %get3A_443 = vector.shape_cast %get3A_442 : vector<1x16xf32> to vector<16xf32>
        %add3A_444 = arith.addf %get3A_439, %get3A_443 : vector<16xf32>
        %swap3A_445 = arith.index_cast %scan3A_352 : i32 to index
        %swap3A_446 = arith.constant 96 : index
        %swap3A_447 = tpu.vector_load %arg13[%swap3A_445, %swap3A_446] {strides = array<i32>} : memref<120x128xf32, #tpu.memory_space<vmem>>, vector<1x16xf32>,
        %swap3A_448 = vector.shape_cast %swap3A_447 : vector<1x16xf32> to vector<16xf32>
        %swap3A_449 = vector.shape_cast %add3A_444 : vector<16xf32> to vector<1x16xf32>
        tpu.vector_store %arg13[%swap3A_445, %swap3A_446], %swap3A_449 {strides = array<i32>} : memref<120x128xf32, #tpu.memory_space<vmem>>, vector<1x16xf32>,
        %get3A_450 = arith.index_cast %scan3A_352 : i32 to index
        %get3A_451 = arith.constant 112 : index
        %get3A_452 = tpu.vector_load %arg13[%get3A_450, %get3A_451] {strides = array<i32>} : memref<120x128xf32, #tpu.memory_space<vmem>>, vector<1x16xf32>,
        %get3A_453 = vector.shape_cast %get3A_452 : vector<1x16xf32> to vector<16xf32>
        %get3A_454 = arith.index_cast %scan3A_352 : i32 to index
        %get3A_455 = arith.constant 112 : index
        %get3A_456 = tpu.vector_load %arg17[%get3A_454, %get3A_455] {strides = array<i32>} : memref<120x128xf32, #tpu.memory_space<vmem>>, vector<1x16xf32>,
        %get3A_457 = vector.shape_cast %get3A_456 : vector<1x16xf32> to vector<16xf32>
        %add3A_458 = arith.addf %get3A_453, %get3A_457 : vector<16xf32>
        %swap3A_459 = arith.index_cast %scan3A_352 : i32 to index
        %swap3A_460 = arith.constant 112 : index
        %swap3A_461 = tpu.vector_load %arg13[%swap3A_459, %swap3A_460] {strides = array<i32>} : memref<120x128xf32, #tpu.memory_space<vmem>>, vector<1x16xf32>,
        %swap3A_462 = vector.shape_cast %swap3A_461 : vector<1x16xf32> to vector<16xf32>
        %swap3A_463 = vector.shape_cast %add3A_458 : vector<16xf32> to vector<1x16xf32>
        tpu.vector_store %arg13[%swap3A_459, %swap3A_460], %swap3A_463 {strides = array<i32>} : memref<120x128xf32, #tpu.memory_space<vmem>>, vector<1x16xf32>,
        %scan3A_464 = arith.constant 0 : i32
        scf.yield %scan3A_464 : i32
      }
      %scan3A_340 = arith.constant 120 : i32
      %mul3A_341 = arith.constant 120 : i32
      %mul3A_342 = arith.muli %add3A_297, %mul3A_341 : i32
      %sub3A_343 = arith.constant 120 : i32
      %sub3A_344 = arith.subi %mul3A_12, %sub3A_343 : i32
      %min3A_345 = arith.minsi %mul3A_342, %sub3A_344 : i32
      %add3A_346 = arith.addi %mul3A_6, %min3A_345 : i32
      %dma_start3A_347 = arith.constant 0 : i32
      %dma_start3A_348 = tpu.memref_slice %arg5[%add3A_346, %dma_start3A_347] : memref<625000x128xf32, #tpu.memory_space<hbm>> -> memref<120x128xf32, #tpu.memory_space<hbm>>
      %dma_start3A_349 = arith.constant 0 : i32
      %dma_start3A_350 = tpu.memref_slice %arg5[%add3A_346, %dma_start3A_349] : memref<625000x128xf32, #tpu.memory_space<hbm>> -> memref<120x128xf32, #tpu.memory_space<hbm>>
      tpu.enqueue_dma source(%arg13 : memref<120x128xf32, #tpu.memory_space<vmem>>) target(%dma_start3A_350 : memref<120x128xf32, #tpu.memory_space<hbm>>) target_semaphore(%arg33 : memref<!tpu.dma_semaphore, #tpu.memory_space<semaphore_mem>>)
      %scan3A_351 = arith.constant 0 : i32
      scf.yield %scan3A_351 : i32
    }
    %scan3A_86 = arith.constant 41 : i32
    %sub3A_87 = arith.constant 120 : i32
    %sub3A_88 = arith.subi %mul3A_12, %sub3A_87 : i32
    %min3A_89 = arith.constant 19200 : i32
    %min3A_90 = arith.minsi %min3A_89, %sub3A_88 : i32
    %add3A_91 = arith.addi %mul3A_6, %min3A_90 : i32
    %dma_wait3A_92 = arith.constant 0 : i32
    %dma_wait3A_93 = tpu.memref_slice %arg5[%add3A_91, %dma_wait3A_92] : memref<625000x128xf32, #tpu.memory_space<hbm>> -> memref<120x128xf32, #tpu.memory_space<hbm>>
    %dma_wait3A_94 = arith.constant 0 : i32
    %dma_wait3A_95 = tpu.memref_slice %arg5[%add3A_91, %dma_wait3A_94] : memref<625000x128xf32, #tpu.memory_space<hbm>> -> memref<120x128xf32, #tpu.memory_space<hbm>>
    tpu.wait_dma2 semaphore(%arg30 : memref<!tpu.dma_semaphore, #tpu.memory_space<semaphore_mem>>) src(%arg10 : memref<120x128xf32, #tpu.memory_space<vmem>>) dst(%dma_wait3A_95 : memref<120x128xf32, #tpu.memory_space<hbm>>)
    %sub3A_96 = arith.constant 120 : i32
    %sub3A_97 = arith.subi %mul3A_12, %sub3A_96 : i32
    %min3A_98 = arith.constant 19320 : i32
    %min3A_99 = arith.minsi %min3A_98, %sub3A_97 : i32
    %add3A_100 = arith.addi %mul3A_6, %min3A_99 : i32
    %dma_wait3A_101 = arith.constant 0 : i32
    %dma_wait3A_102 = tpu.memref_slice %arg5[%add3A_100, %dma_wait3A_101] : memref<625000x128xf32, #tpu.memory_space<hbm>> -> memref<120x128xf32, #tpu.memory_space<hbm>>
    %dma_wait3A_103 = arith.constant 0 : i32
    %dma_wait3A_104 = tpu.memref_slice %arg5[%add3A_100, %dma_wait3A_103] : memref<625000x128xf32, #tpu.memory_space<hbm>> -> memref<120x128xf32, #tpu.memory_space<hbm>>
    tpu.wait_dma2 semaphore(%arg31 : memref<!tpu.dma_semaphore, #tpu.memory_space<semaphore_mem>>) src(%arg11 : memref<120x128xf32, #tpu.memory_space<vmem>>) dst(%dma_wait3A_104 : memref<120x128xf32, #tpu.memory_space<hbm>>)
    %sub3A_105 = arith.constant 120 : i32
    %sub3A_106 = arith.subi %mul3A_12, %sub3A_105 : i32
    %min3A_107 = arith.constant 19440 : i32
    %min3A_108 = arith.minsi %min3A_107, %sub3A_106 : i32
    %add3A_109 = arith.addi %mul3A_6, %min3A_108 : i32
    %dma_wait3A_110 = arith.constant 0 : i32
    %dma_wait3A_111 = tpu.memref_slice %arg5[%add3A_109, %dma_wait3A_110] : memref<625000x128xf32, #tpu.memory_space<hbm>> -> memref<120x128xf32, #tpu.memory_space<hbm>>
    %dma_wait3A_112 = arith.constant 0 : i32
    %dma_wait3A_113 = tpu.memref_slice %arg5[%add3A_109, %dma_wait3A_112] : memref<625000x128xf32, #tpu.memory_space<hbm>> -> memref<120x128xf32, #tpu.memory_space<hbm>>
    tpu.wait_dma2 semaphore(%arg32 : memref<!tpu.dma_semaphore, #tpu.memory_space<semaphore_mem>>) src(%arg12 : memref<120x128xf32, #tpu.memory_space<vmem>>) dst(%dma_wait3A_113 : memref<120x128xf32, #tpu.memory_space<hbm>>)
    %sub3A_114 = arith.constant 120 : i32
    %sub3A_115 = arith.subi %mul3A_12, %sub3A_114 : i32
    %min3A_116 = arith.constant 19560 : i32
    %min3A_117 = arith.minsi %min3A_116, %sub3A_115 : i32
    %add3A_118 = arith.addi %mul3A_6, %min3A_117 : i32
    %dma_wait3A_119 = arith.constant 0 : i32
    %dma_wait3A_120 = tpu.memref_slice %arg5[%add3A_118, %dma_wait3A_119] : memref<625000x128xf32, #tpu.memory_space<hbm>> -> memref<120x128xf32, #tpu.memory_space<hbm>>
    %dma_wait3A_121 = arith.constant 0 : i32
    %dma_wait3A_122 = tpu.memref_slice %arg5[%add3A_118, %dma_wait3A_121] : memref<625000x128xf32, #tpu.memory_space<hbm>> -> memref<120x128xf32, #tpu.memory_space<hbm>>
    tpu.wait_dma2 semaphore(%arg33 : memref<!tpu.dma_semaphore, #tpu.memory_space<semaphore_mem>>) src(%arg13 : memref<120x128xf32, #tpu.memory_space<vmem>>) dst(%dma_wait3A_122 : memref<120x128xf32, #tpu.memory_space<hbm>>)
    return
  }
}

</mosaic_0001>

<sc_bundles>
// kernel: _gather_add.3.cloned.1.call-start
scs
__scs_entry_jumppad:
0x0: {  	(pc) =	sbr.rel $0x88, $3  }
0x1: {  	(tag) =	ssettag $0x0;
	lr =	simm.s32 $0x1  }
0x2: {  	[smem:$0x3F9E] =	sst lr;
	_ =	strace $0xD0000000  }
0x3: {  	_ = 	snop  }
0x4: {  	_ = 	snop  }
0x5: {  	_ = 	snop  }
0x6: {  	_ = 	snop  }
0x7: {  	_ = 	snop  }
__scs_overlays_trampoline_lowered:
0x8: {  	[smem:$0x3FAD] =	sst s0  }
0x9: {  	[smem:$0x3FAE] =	sst s1  }
0xa: {  	[smem:$0x3FAF] =	sst s2  }
0xb: {  	[smem:$0x3FB0] =	sst s3  }
0xc: {  	[smem:$0x3FB1] =	sst s4  }
0xd: {  	[smem:$0x3FB2] =	sst s5  }
0xe: {  	[smem:$0x3FB3] =	sst s6  }
0xf: {  	[smem:$0x3FB4] =	sst s7  }
0x10: {  	[smem:$0x3FB5] =	sst s8  }
0x11: {  	[smem:$0x3FB6] =	sst s9;
	s0 =	simm.s32 @!p0 $0x0  }
0x12: {  	s1 =	sld [smem:$0x3F9C];
	s0 =	simm.s32 @p0 $0x1  }
0x13: {  	[smem:$0x3FB7] =	sst s0;
	s0 =	simm.s32 @!p1 $0x0  }
0x14: {  	s2 =	sld [smem:$0x3F9B];
	s0 =	simm.s32 @p1 $0x1  }
0x15: {  	[smem:$0x3FB8] =	sst s0;
	s0 =	simm.s32 @!p2 $0x0  }
0x16: {  	s3 =	sld [smem:$0x3FDB];
	s0 =	simm.s32 @p2 $0x1  }
0x17: {  	s4 =	simm.s32 $0x1BF5;
	[smem:$0x3FBA] =	sst s0  }
0x18: {  	s0 =	sld [smem:$0x3F9D];
	_ =	swait.ge [sflag:s4], $0x0  }
0x19: {  	s7 =	sld [smem:$0x3F9E]  }
0x1a: {  	s8 =	sadd.s32 $0xFFFFE003, lr  }
0x1b: {  	s9 =	sadd.s32 $0xFFFFFEF7, lr;
	s5 =	simm.s32 $0xFFFFFFFF;
	p2 =	slt.u32 s8, $0xFFFFF086  }
0x1c: {  	p1 =	slt.u32 s9, $0xF7A;
	s5 =	simm.s32 @!p2 $0x0  }
0x1d: {  	s5 =	simm.s32 @p1 $0x1;
	p0 =	seq.s32 s7, s2  }
0x1e: {  	s7 =	smul.u32 @!p0 $0xF7A, s2;
	p2 =	seq.s32 @!p0 s5, $0x0  }
0x1f: {  	s9 =	smul.u32 $0xF7A, s1;
	s8 =	simm.s32 @!p0 $0x1BF5;
	p2 =	por !p2, p0  }
0x20: {  	[sflag:s8] =	ssyncset.s32 @!p0 $0xFFFFF086;
	s6 =	sadd.s32 @!p0 s3, s7;
	s7 =	simm.s32 @!p0 $0x108  }
0x21: {  	s3 =	sadd.s32 s3, s9;
	s6 =	sadd.s32 @!p0 $0x88, s6;
	s7 =	simm.s32 @p2 $0x1082  }
0x22: {  	[simem:s7], [sflag:s8] =	dma.local @!p0 [hbm:s6], $0xF7A  }
0x23: {  	s9 =	sor.u32 $0xD0000000, s2;
	s6 =	simm.s32 $0x108;
	_ =	swait.ge @!p0 [sflag:s8], $0x0  }
0x24: {  	s3 =	sadd.s32 $0x88, s3;
	s6 =	simm.s32 @!p1 $0x1082;
	[sflag:s4] =	ssyncset.s32 $0xFFFFF086  }
0x25: {  	[simem:s6], [sflag:s4] =	dma.local [hbm:s3], $0xF7A  }
0x26: {  	[smem:$0x3F9E] =	sst s1;
	(tag) =	ssettag s2;
	_ =	strace s9  }
0x27: {  	s1 =	sld [smem:$0x3FAE]  }
0x28: {  	s2 =	sld [smem:$0x3FAF]  }
0x29: {  	s4 =	sld [smem:$0x3FB1]  }
0x2a: {  	p0 =	seq.s32 s5, $0x0;
	s5 =	sld [smem:$0x3FB2]  }
0x2b: {  	s6 =	sld [smem:$0x3FB3]  }
0x2c: {  	s7 =	sld [smem:$0x3FB4]  }
0x2d: {  	s3 =	simm.s32 $0x108;
	s8 =	sld [smem:$0x3FB5]  }
0x2e: {  	s3 =	simm.s32 @!p0 $0x1082;
	s9 =	sld [smem:$0x3FB6]  }
0x2f: {  	lr =	sadd.s32 s0, s3;
	s0 =	sld [smem:$0x3FAD]  }
0x30: {  	s3 =	sld [smem:$0x3FB0]  }
0x31: {  	[smem:$0x3FB9] =	sst s10  }
0x32: {  	s10 =	sld [smem:$0x3FB7];
	_ =	sdelay $0x3  }
0x33: {  	p0 =	seq.s32 s10, $0x1;
	s10 =	sld [smem:$0x3FB9];
	_ =	sdelay $0x3  }
0x34: {  	[smem:$0x3FB9] =	sst s10  }
0x35: {  	s10 =	sld [smem:$0x3FB8];
	_ =	sdelay $0x3  }
0x36: {  	p1 =	seq.s32 s10, $0x1;
	s10 =	sld [smem:$0x3FB9];
	_ =	sdelay $0x3  }
0x37: {  	[smem:$0x3FB9] =	sst s10  }
0x38: {  	s10 =	sld [smem:$0x3FBA]  }
0x39: {  	_ = 	snop;
	(pc) =	sbr.ind lr, $3  }
0x3a: {  	_ = 	snop  }
0x3b: {  	_ = 	snop  }
0x3c: {  	p2 =	seq.s32 s10, $0x1;
	s10 =	sld [smem:$0x3FB9]  }
0x3d: {  	_ =	shalt  }
0x3e: {  	_ =	shalt  }
0x3f: {  	_ =	shalt  }
0x40: {  	_ =	shalt  }
0x41: {  	_ =	shalt  }
0x42: {  	_ =	shalt  }
0x43: {  	_ =	shalt  }
0x44: {  	_ =	shalt  }
0x45: {  	_ =	shalt  }
0x46: {  	_ =	shalt  }
0x47: {  	_ =	shalt  }
0x48: {  	_ =	shalt  }
0x49: {  	_ =	shalt  }
0x4a: {  	_ =	shalt  }
0x4b: {  	_ =	shalt  }
0x4c: {  	_ =	shalt  }
0x4d: {  	_ =	shalt  }
0x4e: {  	_ =	shalt  }
0x4f: {  	_ =	shalt  }
0x50: {  	_ =	shalt  }
0x51: {  	_ =	shalt  }
0x52: {  	_ =	shalt  }
0x53: {  	_ =	shalt  }
0x54: {  	_ =	shalt  }
0x55: {  	_ =	shalt  }
0x56: {  	_ =	shalt  }
0x57: {  	_ =	shalt  }
0x58: {  	_ =	shalt  }
0x59: {  	_ =	shalt  }
0x5a: {  	_ =	shalt  }
0x5b: {  	_ =	shalt  }
0x5c: {  	_ =	shalt  }
0x5d: {  	_ =	shalt  }
0x5e: {  	_ =	shalt  }
0x5f: {  	_ =	shalt  }
0x60: {  	_ =	shalt  }
0x61: {  	_ =	shalt  }
0x62: {  	_ =	shalt  }
0x63: {  	_ =	shalt  }
0x64: {  	_ =	shalt  }
0x65: {  	_ =	shalt  }
0x66: {  	_ =	shalt  }
0x67: {  	_ =	shalt  }
0x68: {  	_ =	shalt  }
0x69: {  	_ =	shalt  }
0x6a: {  	_ =	shalt  }
0x6b: {  	_ =	shalt  }
0x6c: {  	_ =	shalt  }
0x6d: {  	_ =	shalt  }
0x6e: {  	_ =	shalt  }
0x6f: {  	_ =	shalt  }
0x70: {  	_ =	shalt  }
0x71: {  	_ =	shalt  }
0x72: {  	_ =	shalt  }
0x73: {  	_ =	shalt  }
0x74: {  	_ =	shalt  }
0x75: {  	_ =	shalt  }
0x76: {  	_ =	shalt  }
0x77: {  	_ =	shalt  }
0x78: {  	_ =	shalt  }
0x79: {  	_ =	shalt  }
0x7a: {  	_ =	shalt  }
0x7b: {  	_ =	shalt  }
0x7c: {  	_ =	shalt  }
0x7d: {  	_ =	shalt  }
0x7e: {  	_ =	shalt  }
0x7f: {  	_ =	shalt  }
0x80: {  	_ =	shalt  }
0x81: {  	_ =	shalt  }
0x82: {  	_ =	shalt  }
0x83: {  	_ =	shalt  }
0x84: {  	_ =	shalt  }
0x85: {  	_ =	shalt  }
0x86: {  	_ =	shalt  }
0x87: {  	_ =	shalt  }
.Lfunc_end0:
.L_simem_size_0:
called_computation_lowered:
.L_overlay_start_0:
0x88: {  	s2 =	sld [smem:$0x3FD9]  }
0x89: {  	s3 =	sld [smem:$0x3FFE];
	_ =	sdelay $0x1  }
0x8a: {  	s1 =	srdreg.scid  }
0x8b: {  	s0 =	sand.u32 $0x1, s1  }
0x8c: {  	s18 =	sshll.u32 s0, $0xA;
	s2 =	sadd.s32 s3, s2  }
0x8d: {  	s2 =	sadd.s32 s2, s18  }
0x8e: {  	[smem:$0x3FC5] =	sst s2  }
0x8f: {  	_ = 	snop  }
0x90: {  	s2 =	sld [smem:$0x3FC9]  }
0x91: {  	s19 =	sld [smem:$0x3FC8]  }
0x92: {  	s4 =	sld [smem:$0x3FD0];
	(tm) =	ssettm $0x1  }
0x93: {  	s5 =	sld [smem:$0x3FFB];
	_ =	sdelay $0x3  }
0x94: {  	_ =	strace s5  }
0x95: {  	s5 =	sld [smem:$0x3FFC];
	_ =	sdelay $0x3  }
0x96: {  	_ =	strace s5  }
0x97: {  	s5 =	sld [smem:$0x3FFD];
	_ =	sdelay $0x3  }
0x98: {  	_ =	strace s5  }
0x99: {  	_ =	strace $0x8FFFFFFF  }
0x9a: {  	s20 =	sld [smem:$0x3FDB];
	_ =	sdelay $0x1  }
0x9b: {  	s6 =	simm.s32 $_scs_section_size  }
0x9c: {  	s7 =	simm.s32 $_size__tile_overlayer_lowered;
	s8 =	simm.s32 $_tile_overlayer_lowered  }
0x9d: {  	s23 =	simm.s32 $0x1BFF;
	s22 =	sshll.u32 s8, $0x1;
	s5 =	sadd.s32 s6, s20  }
0x9e: {  	s9 =	simm.s32 $0x0;
	s21 =	sshll.u32 s7, $0x1;
	s7 =	sadd.s32 s22, s5  }
0x9f: {  	[timem:s9], [sflag:s23] =	dma.local [hbm:s7], s21  }
0xa0: {  	_ =	swait.ge [sflag:s23], s21  }
0xa1: {  	s6 =	ssub.s32 $0x0, s21;
	[sflag:s23] =	ssyncset.done $0x0  }
0xa2: {  	[sflag:s23] =	ssyncadd.s32 s6;
	_ =	sdelay $0x1  }
0xa3: {  	s24 =	simm.s32 $0x1B8B  }
0xa4: {  	_ =	swait.ge [sflag:s24], $0x1  }
0xa5: {  	[sflag:s24] =	ssyncset.done $0x0  }
0xa6: {  	s25 =	simm.s32 $0x1B8E;
	[sflag:s24] =	ssyncadd.s32 $0xFFFFFFFF  }
0xa7: {  	s26 =	simm.s32 $execute0_lowered;
	[smem:$0x3FD2] =	sst s25  }
0xa8: {  	s6 =	sshll.u32 s26, $0x1;
	_ =	strace $0x80000046;
	[dreg:$0x1] =	wrdreg $0xFFFFFFFF  }
0xa9: {  	s28 =	simm.s32 $_size_execute0_lowered;
	s5 =	sadd.s32 s5, s6;
	[dreg:$0x0] =	wrdreg $0x0  }
0xaa: {  	s6 =	sshll.u32 s28, $0x1;
	[dreg:$0x2] =	wrdreg s5  }
0xab: {  	[dreg:$0x3] =	wrdreg s6  }
0xac: {  	[dreg:$0x4] =	wrdreg $0xC0  }
0xad: {  	_ =	task [dreg:s9], $0x5FFFF  }
0xae: {  	[dreg:$0x1] =	wrdreg $0xFFFFFFFF  }
0xaf: {  	[dreg:$0x0] =	wrdreg $0x60  }
0xb0: {  	[dreg:$0x2] =	wrdreg s2  }
0xb1: {  	[dreg:$0x3] =	wrdreg s19  }
0xb2: {  	[dreg:$0x4] =	wrdreg s4  }
0xb3: {  	[dreg:$0x5] =	wrdreg $0x9  }
0xb4: {  	_ =	task.clear_ibuf [dreg:s9], $0x6FFFF;
	_ =	strace $0x90000046  }
0xb5: {  	s29 =	simm.s32 $0x9;
	_ =	strace $0x80000048  }
0xb6: {  	_ =	swait.ge [sflag:s29], $0x1  }
0xb7: {  	[sflag:s29] =	ssyncadd.s32 $0xFFFFFFFF  }
0xb8: {  	_ =	strace $0x90000048  }
0xb9: {  	_ =	sfence  }
0xba: {  	s30 =	sld [smem:$0x0];
	_ =	sdelay $0x2  }
0xbb: {  	s31 =	sshll.u32 s1, $0xD;
	s1 =	sshrl.u32 s1, $0x2  }
0xbc: {  	s3 =	sand.u32 $0x4000, s31;
	s1 =	sadd.s32 s1, s30  }
0xbd: {  	s0 =	sor.u32 s3, s0;
	s1 =	sshll.u32 s1, $0x11  }
0xbe: {  	s0 =	sor.u32 s1, s0  }
0xbf: {  	s0 =	sadd.s32 $0x8F2B, s0  }
0xc0: {  	[sflag:s0] =	ssyncadd.remote.s32 $0x1  }
0xc1: {  	_ =	sfence.sel $0xFFFF  }
0xc2: {  	[dreg:$0x0] =	wrdreg $0xFFFFFFFF;
	(pc) =	sbr.abs _section_cstart, $3  }
0xc3: {  	[dreg:$0x1] =	wrdreg $0xFFFFFFFF  }
0xc4: {  	_ =	task.clear_ibuf [dreg:s9], $0x2FFFF;
	_ =	strace $0x9FFFFFFF  }
0xc5: {  	(tm) =	ssettm $0x7FFFFFFF  }
tec
execute0_lowered:
.L_overlay_start_1:
0x0: {  	(tag) =	ssettag $0x1  }
0x1: {  	s0 =	srdreg.scid  }
0x2: {  	s2 =	stileid.u32;
	s1 =	rddreg [dreg:$0x0];
	s4 =	simm.s32 $0x0  }
0x3: {  	s17 =	simm.s32 $0x200;
	s20 =	simm.s32 $0x3E00;
	s23 =	simm.s32 $0x3  }
0x4: {  	s28 =	simm.s32 $0x9;
	s29 =	simm.s32 $0x4;
	s30 =	simm.s32 $0xB600  }
0x5: {  	s31 =	simm.s32 $0x1A600;
	s14 =	simm.s32 $0x7;
	s15 =	simm.s32 $0xB  }
0x6: {  	s18 =	simm.s32 $0x8;
	s3 =	sshll.u32 s2, $0x1;
	s2 =	rddreg [dreg:$0x1]  }
0x7: {  	s21 =	simm.s32 $0xC;
	s0 =	sand.u32 $0x1, s0;
	[smem:$0x7FF] =	sst s4  }
0x8: {  	s11 =	simm.s32 $0x0;
	s6 =	sor.u32 s0, s3;
	s3 =	rddreg [dreg:$0x2]  }
0x9: {  	s0 =	ssub.s32 $0x2, s0;
	_ =	strace $0x80000047;
	s5 =	smul.u32 $0x989, s6  }
0xa: {  	s7 =	smin.u32 s6, $0xD;
	s8 =	sshrl.u32 s0, $0x1;
	p0 =	slt.u32 s6, $0xD  }
0xb: {  	s6 =	simm.s32 $0x4BD8;
	s0 =	ssub.s32 s0, s8;
	s9 =	sadd.s32 s7, s5  }
0xc: {  	s6 =	simm.s32 @!p0 $0x4BD0;
	s0 =	smax.u32 s0, $0x1;
	s5 =	sshll.u32 s9, $0x3  }
0xd: {  	s8 =	sadd.s32 s1, s9;
	s24 =	sshll.u32 s9, $0x7;
	s7 =	sadd.s32 $0x78, s5  }
0xe: {  	[dreg:$0x8] =	wrdreg s0;
	s25 =	sadd.s32 $0x1E, s8;
	s10 =	sshrl.u32 s7, $0x3  }
0xf: {  	s0 =	simm.s32 $0xA;
	[dreg:$0x5] =	wrdreg s25;
	s1 =	sadd.s32 s1, s10  }
0x10: {  	s26 =	sshll.u32 s7, $0x4;
	[dreg:$0x4] =	wrdreg s1;
	s1 =	sadd.s32 s2, s24  }
0x11: {  	s24 =	simm.s32 $0x7A00;
	[dreg:$0x6] =	wrdreg s1;
	s1 =	sadd.s32 s2, s26  }
0x12: {  	s26 =	simm.s32 $0x5;
	[dreg:$0x7] =	wrdreg s1;
	s1 =	simm.s32 $0x6  }
.LBB2_1:
0x13: {  	[dreg:$0x9] =	wrdreg s11  }
0x14: {  	[tilespmem:s4], [sflag:$0x1] =	stream.linear.gather [hbm4b:s8+s4], $0x78, $0x38;
	[tilespmem:$0x1E200] =	vst v63  }
0x15: {  	s9 =	rddreg [dreg:$0x4];
	s10 =	simm.s32 $0x80  }
0x16: {  	[tilespmem:s10], [sflag:$0x2] =	stream.linear.gather [hbm4b:s9+s4], $0x78, $0x38;
	[tilespmem:$0x1E200] =	vst v63  }
0x17: {  	s11 =	simm.s32 $0x100;
	s12 =	simm.s32 $0x1;
	s10 =	rddreg [dreg:$0x5]  }
0x18: {  	[tilespmem:s11], [sflag:$0x3] =	stream.linear.gather [hbm4b:s10+s4], $0x78, $0x38;
	[tilespmem:$0x1E200] =	vst v63  }
0x19: {  	_ =	swait.ge [sflag:s12], $0x78  }
0x1a: {  	[sflag:s12] =	ssyncset.done $0x0  }
0x1b: {  	s13 =	rddreg [dreg:$0x6];
	[sflag:s12] =	ssyncadd.s32 $0xFFFFFF88  }
0x1c: {  	[tilespmem:s17], [sflag:$0x5] =	stream.linear.gather [hbm4b:s13+s4], $0x3C00, $0x38;
	[tilespmem:$0x1E200] =	vst v63  }
0x1d: {  	s16 =	simm.s32 $0xF200;
	s19 =	simm.s32 $0x2  }
0x1e: {  	[tilespmem:s16], [sflag:$0x9] =	stream.linear.gather [hbm4b:s13+s4], $0x3C00, $0x38;
	[tilespmem:$0x1E200] =	vst v63  }
0x1f: {  	_ =	swait.ge [sflag:s19], $0x78  }
0x20: {  	[sflag:s19] =	ssyncset.done $0x0  }
0x21: {  	s22 =	rddreg [dreg:$0x7];
	[sflag:s19] =	ssyncadd.s32 $0xFFFFFF88  }
0x22: {  	[tilespmem:s20], [sflag:$0x6] =	stream.linear.gather [hbm4b:s22+s4], $0x3C00, $0x38;
	[tilespmem:$0x1E200] =	vst v63  }
0x23: {  	s25 =	simm.s32 $0x12E00;
	s9 =	simm.s32 $0x0  }
0x24: {  	[tilespmem:s25], [sflag:$0xA] =	stream.linear.gather [hbm4b:s22+s4], $0x3C00, $0x38;
	[tilespmem:$0x1E200] =	vst v63  }
.LBB2_2:
0x25: {  	s10 =	smul.u32 $0x1E0, s9;
	_ =	sdelay $0x1  }
0x26: {  	s11 =	sadd.s32 $0x168, s10  }
0x27: {  	s16 =	smov.u32 s6;
	p0 =	slt.s32 s11, s6  }
0x28: {  	s16 =	smov.u32 @p0 s11  }
0x29: {  	s11 =	sshrl.u32 s16, $0x3  }
0x2a: {  	s12 =	simm.s32 $0x180;
	s11 =	sadd.s32 s11, s8  }
0x2b: {  	[tilespmem:s12], [sflag:$0x4] =	stream.linear.gather [hbm4b:s11+s4], $0x78, $0x38;
	[tilespmem:$0x1E200] =	vst v63  }
0x2c: {  	p1 =	seq.s32 s9, $0x0;
	s11 =	sadd.s32 $0xF0, s10;
	_ =	swait.ge [sflag:s23], $0x78  }
0x2d: {  	s12 =	smov.u32 s6;
	p0 =	slt.s32 s11, s6;
	[sflag:s23] =	ssyncset.done $0x0  }
0x2e: {  	s12 =	smov.u32 @p0 s11;
	s11 =	simm.s32 @!p1 $0xF;
	[sflag:s23] =	ssyncadd.s32 $0xFFFFFF88  }
0x2f: {  	s12 =	sadd.s32 s5, s12;
	_ =	swait.ge @!p1 [sflag:s11], $0x3C00  }
0x30: {  	s13 =	sshll.u32 s12, $0x4;
	[sflag:s11] =	ssyncset.done @!p1 $0x0  }
0x31: {  	s25 =	simm.s32 $0x0;
	s22 =	sadd.s32 s2, s13;
	[sflag:s11] =	ssyncadd.s32 @!p1 $0xFFFFC400  }
0x32: {  	[tilespmem:s24], [sflag:$0x7] =	stream.linear.gather [hbm4b:s22+s25], $0x3C00, $0x38;
	[tilespmem:$0x1E200] =	vst v63  }
0x33: {  	s19 =	simm.s32 $0x16A00  }
0x34: {  	[tilespmem:s19], [sflag:$0xB] =	stream.linear.gather [hbm4b:s22+s25], $0x3C00, $0x38;
	[tilespmem:$0x1E200] =	vst v63  }
0x35: {  	_ =	swait.ge [sflag:s26], $0x3C00  }
0x36: {  	[sflag:s26] =	ssyncset.done $0x0  }
0x37: {  	[sflag:s26] =	ssyncadd.s32 $0xFFFFC400  }
0x38: {  	_ =	swait.ge [sflag:s28], $0x3C00  }
0x39: {  	[sflag:s28] =	ssyncset.done $0x0  }
0x3a: {  	s12 =	simm.s32 $0x0;
	[sflag:s28] =	ssyncadd.s32 $0xFFFFC400  }
0x3b: {  	v7 =	vld [tilespmem:s12+$0xF200]  }
0x3c: {  	v11 =	vld [tilespmem:s12+$0xF210]  }
0x3d: {  	v5 =	vld [tilespmem:s12+$0xF220]  }
0x3e: {  	v4 =	vld [tilespmem:s12+$0xF230]  }
0x3f: {  	v3 =	vld [tilespmem:s12+$0xF240]  }
0x40: {  	v2 =	vld [tilespmem:s12+$0xF250]  }
0x41: {  	v1 =	vld [tilespmem:s12+$0xF260]  }
0x42: {  	v0 =	vld [tilespmem:s12+$0xF270]  }
0x43: {  	v12 =	vld [tilespmem:s12+$0x200]  }
0x44: {  	v13 =	vld [tilespmem:s12+$0x210]  }
0x45: {  	v10 =	vld [tilespmem:s12+$0x220]  }
0x46: {  	v9 =	vld [tilespmem:s12+$0x230]  }
0x47: {  	v8 =	vld [tilespmem:s12+$0x240]  }
0x48: {  	v6 =	vld [tilespmem:s12+$0x250];
	v12 =	vadd.f32 v7, v12  }
0x49: {  	s11 =	sshll.u32 s9, $0x2;
	s19 =	simm.s32 $0x200;
	v11 =	vadd.f32 v11, v13;
	v7 =	vld [tilespmem:s12+$0x260]  }
.LBB2_3:
0x4a: {  	s22 =	sshra.s32 s19, $0x2;
	p0 =	sne.s32 s19, $0xEE00;
	[tilespmem:s12+$0x200] =	vst v12;
	v5 =	vadd.f32 v5, v10;
	v10 =	vld [tilespmem:s12+$0x270]  }
0x4b: {  	v12 =	vld [tilespmem:s22+$0xF200];
	[tilespmem:s12+$0x210] =	vst v11;
	v4 =	vadd.f32 v4, v9  }
0x4c: {  	v11 =	vld [tilespmem:s22+$0xF210];
	[tilespmem:s12+$0x220] =	vst v5;
	v3 =	vadd.f32 v3, v8  }
0x4d: {  	v5 =	vld [tilespmem:s22+$0xF220];
	[tilespmem:s12+$0x230] =	vst v4;
	v2 =	vadd.f32 v2, v6  }
0x4e: {  	v4 =	vld [tilespmem:s22+$0xF230];
	[tilespmem:s12+$0x240] =	vst v3;
	v1 =	vadd.f32 v1, v7  }
0x4f: {  	v3 =	vld [tilespmem:s22+$0xF240];
	[tilespmem:s12+$0x250] =	vst v2;
	v0 =	vadd.f32 v0, v10  }
0x50: {  	v2 =	vld [tilespmem:s22+$0xF250];
	[tilespmem:s12+$0x260] =	vst v1  }
0x51: {  	v1 =	vld [tilespmem:s22+$0xF260];
	[tilespmem:s12+$0x270] =	vst v0;
	s12 =	smov.u32 s22  }
0x52: {  	v0 =	vld [tilespmem:s12+$0xF270]  }
0x53: {  	v6 =	vld [tilespmem:s12+$0x200]  }
0x54: {  	v7 =	vld [tilespmem:s12+$0x210]  }
.Ltmp0:
0x55: {  	v10 =	vld [tilespmem:s12+$0x220];
	(pc) =	sbr.rel @p0 .LBB2_3-.Ltmp0, $4  }
0x56: {  	v9 =	vld [tilespmem:s12+$0x230]  }
0x57: {  	v8 =	vld [tilespmem:s12+$0x240]  }
0x58: {  	v12 =	vadd.f32 v12, v6;
	v6 =	vld [tilespmem:s12+$0x250]  }
0x59: {  	s19 =	sadd.s32 $0x200, s19;
	v11 =	vadd.f32 v11, v7;
	v7 =	vld [tilespmem:s12+$0x260]  }
0x5a: {  	[tilespmem:s12+$0x200] =	vst v12;
	v5 =	vadd.f32 v5, v10;
	v10 =	vld [tilespmem:s12+$0x270]  }
0x5b: {  	[tilespmem:s12+$0x210] =	vst v11;
	v4 =	vadd.f32 v4, v9  }
0x5c: {  	[tilespmem:s12+$0x220] =	vst v5;
	v3 =	vadd.f32 v3, v8  }
0x5d: {  	[tilespmem:s12+$0x230] =	vst v4;
	v2 =	vadd.f32 v2, v6  }
0x5e: {  	[tilespmem:s12+$0x240] =	vst v3;
	v1 =	vadd.f32 v1, v7  }
0x5f: {  	s19 =	sadd.s32 s5, s10;
	[tilespmem:s12+$0x250] =	vst v2;
	v0 =	vadd.f32 v0, v10  }
0x60: {  	s22 =	sadd.s32 $0x4, s11;
	p0 =	seq.s32 s9, $0x28;
	s19 =	sshll.u32 s19, $0x4;
	[tilespmem:s12+$0x260] =	vst v1  }
0x61: {  	s19 =	sadd.s32 s3, s19;
	[tilespmem:s12+$0x270] =	vst v0;
	s12 =	smul.u32 @!p0 $0x78, s22  }
0x62: {  	[hbm4b:s19+s4] =	stream.linear.scatter [tilespmem:s17], [sflag:$0xD], $0x3C00, $0x38;
	[tilespmem:$0x1E200] =	vst v63  }
0x63: {  	p2 =	slt.s32 @!p0 s12, s6  }
0x64: {  	p2 =	por !p2, p0  }
0x65: {  	s12 =	smov.u32 @p2 s6  }
0x66: {  	s19 =	sshrl.u32 @!p0 s12, $0x3  }
0x67: {  	s22 =	simm.s32 @!p0 $0x0;
	s19 =	sadd.s32 @!p0 s19, s8  }
0x68: {  	[tilespmem:s22], [sflag:$0x1] =	stream.linear.gather @!p0 [hbm4b:s19+s22], $0x78, $0x38;
	[tilespmem:$0x1E200] =	vst v63  }
0x69: {  	_ =	swait.ge [sflag:s29], $0x78  }
0x6a: {  	[sflag:s29] =	ssyncset.done $0x0  }
0x6b: {  	s19 =	simm.s32 @!p1 $0x10;
	[sflag:s29] =	ssyncadd.s32 $0xFFFFFF88  }
0x6c: {  	s16 =	sadd.s32 s5, s16;
	_ =	swait.ge @!p1 [sflag:s19], $0x3C00  }
0x6d: {  	s16 =	sshll.u32 s16, $0x4;
	[sflag:s19] =	ssyncset.done @!p1 $0x0  }
0x6e: {  	s25 =	simm.s32 $0x0;
	s22 =	sadd.s32 s2, s16;
	[sflag:s19] =	ssyncadd.s32 @!p1 $0xFFFFC400  }
0x6f: {  	[tilespmem:s30], [sflag:$0x8] =	stream.linear.gather [hbm4b:s22+s25], $0x3C00, $0x38;
	[tilespmem:$0x1E200] =	vst v63  }
0x70: {  	_ = 	snop  }
0x71: {  	[tilespmem:s31], [sflag:$0xC] =	stream.linear.gather [hbm4b:s22+s25], $0x3C00, $0x38;
	[tilespmem:$0x1E200] =	vst v63  }
0x72: {  	_ =	swait.ge [sflag:s1], $0x3C00  }
0x73: {  	[sflag:s1] =	ssyncset.done $0x0  }
0x74: {  	[sflag:s1] =	ssyncadd.s32 $0xFFFFC400  }
0x75: {  	_ =	swait.ge [sflag:s0], $0x3C00  }
0x76: {  	[sflag:s0] =	ssyncset.done $0x0  }
0x77: {  	s19 =	simm.s32 $0x0;
	[sflag:s0] =	ssyncadd.s32 $0xFFFFC400  }
0x78: {  	v7 =	vld [tilespmem:s19+$0x12E00]  }
0x79: {  	v11 =	vld [tilespmem:s19+$0x12E10]  }
0x7a: {  	v5 =	vld [tilespmem:s19+$0x12E20]  }
0x7b: {  	v4 =	vld [tilespmem:s19+$0x12E30]  }
0x7c: {  	v3 =	vld [tilespmem:s19+$0x12E40]  }
0x7d: {  	v2 =	vld [tilespmem:s19+$0x12E50]  }
0x7e: {  	v1 =	vld [tilespmem:s19+$0x12E60]  }
0x7f: {  	v0 =	vld [tilespmem:s19+$0x12E70]  }
0x80: {  	v12 =	vld [tilespmem:s19+$0x3E00]  }
0x81: {  	v13 =	vld [tilespmem:s19+$0x3E10]  }
0x82: {  	v10 =	vld [tilespmem:s19+$0x3E20]  }
0x83: {  	v9 =	vld [tilespmem:s19+$0x3E30]  }
0x84: {  	v8 =	vld [tilespmem:s19+$0x3E40]  }
0x85: {  	v6 =	vld [tilespmem:s19+$0x3E50];
	v12 =	vadd.f32 v7, v12  }
0x86: {  	s22 =	simm.s32 $0x200;
	v11 =	vadd.f32 v11, v13;
	v7 =	vld [tilespmem:s19+$0x3E60]  }
.LBB2_5:
0x87: {  	s25 =	sshra.s32 s22, $0x2;
	p1 =	sne.s32 s22, $0xEE00;
	[tilespmem:s19+$0x3E00] =	vst v12;
	v5 =	vadd.f32 v5, v10;
	v10 =	vld [tilespmem:s19+$0x3E70]  }
0x88: {  	v12 =	vld [tilespmem:s25+$0x12E00];
	[tilespmem:s19+$0x3E10] =	vst v11;
	v4 =	vadd.f32 v4, v9  }
0x89: {  	v11 =	vld [tilespmem:s25+$0x12E10];
	[tilespmem:s19+$0x3E20] =	vst v5;
	v3 =	vadd.f32 v3, v8  }
0x8a: {  	v5 =	vld [tilespmem:s25+$0x12E20];
	[tilespmem:s19+$0x3E30] =	vst v4;
	v2 =	vadd.f32 v2, v6  }
0x8b: {  	v4 =	vld [tilespmem:s25+$0x12E30];
	[tilespmem:s19+$0x3E40] =	vst v3;
	v1 =	vadd.f32 v1, v7  }
0x8c: {  	v3 =	vld [tilespmem:s25+$0x12E40];
	[tilespmem:s19+$0x3E50] =	vst v2;
	v0 =	vadd.f32 v0, v10  }
0x8d: {  	v2 =	vld [tilespmem:s25+$0x12E50];
	[tilespmem:s19+$0x3E60] =	vst v1  }
0x8e: {  	v1 =	vld [tilespmem:s25+$0x12E60];
	[tilespmem:s19+$0x3E70] =	vst v0;
	s19 =	smov.u32 s25  }
0x8f: {  	v0 =	vld [tilespmem:s19+$0x12E70]  }
0x90: {  	v6 =	vld [tilespmem:s19+$0x3E00]  }
0x91: {  	v7 =	vld [tilespmem:s19+$0x3E10]  }
.Ltmp1:
0x92: {  	v10 =	vld [tilespmem:s19+$0x3E20];
	(pc) =	sbr.rel @p1 .LBB2_5-.Ltmp1, $4  }
0x93: {  	v9 =	vld [tilespmem:s19+$0x3E30]  }
0x94: {  	v8 =	vld [tilespmem:s19+$0x3E40]  }
0x95: {  	v12 =	vadd.f32 v12, v6;
	v6 =	vld [tilespmem:s19+$0x3E50]  }
0x96: {  	s22 =	sadd.s32 $0x200, s22;
	v11 =	vadd.f32 v11, v7;
	v7 =	vld [tilespmem:s19+$0x3E60]  }
0x97: {  	[tilespmem:s19+$0x3E00] =	vst v12;
	v5 =	vadd.f32 v5, v10;
	v10 =	vld [tilespmem:s19+$0x3E70]  }
0x98: {  	s11 =	sadd.s32 $0x5, s11;
	[tilespmem:s19+$0x3E10] =	vst v11;
	v4 =	vadd.f32 v4, v9  }
0x99: {  	s11 =	smul.u32 @!p0 $0x78, s11;
	[tilespmem:s19+$0x3E20] =	vst v5;
	v3 =	vadd.f32 v3, v8  }
0x9a: {  	[tilespmem:s19+$0x3E30] =	vst v4;
	v2 =	vadd.f32 v2, v6  }
0x9b: {  	p1 =	slt.s32 @!p0 s11, s6;
	[tilespmem:s19+$0x3E40] =	vst v3;
	v1 =	vadd.f32 v1, v7  }
0x9c: {  	s22 =	sadd.s32 s7, s10;
	p1 =	por !p1, p0;
	[tilespmem:s19+$0x3E50] =	vst v2;
	v0 =	vadd.f32 v0, v10  }
0x9d: {  	s22 =	sshll.u32 s22, $0x4;
	s11 =	smov.u32 @p1 s6;
	[tilespmem:s19+$0x3E60] =	vst v1  }
0x9e: {  	s25 =	sadd.s32 s3, s22;
	[tilespmem:s19+$0x3E70] =	vst v0;
	s19 =	sshrl.u32 @!p0 s11, $0x3  }
0x9f: {  	[hbm4b:s25+s4] =	stream.linear.scatter [tilespmem:s20], [sflag:$0xE], $0x3C00, $0x38;
	[tilespmem:$0x1E200] =	vst v63  }
0xa0: {  	s22 =	simm.s32 @!p0 $0x0;
	s19 =	sadd.s32 @!p0 s19, s8;
	s25 =	simm.s32 @!p0 $0x80  }
0xa1: {  	[tilespmem:s25], [sflag:$0x2] =	stream.linear.gather @!p0 [hbm4b:s19+s22], $0x78, $0x38;
	[tilespmem:$0x1E200] =	vst v63  }
0xa2: {  	s19 =	simm.s32 @!p0 $0x1  }
0xa3: {  	_ =	swait.ge @!p0 [sflag:s19], $0x78  }
0xa4: {  	[sflag:s19] =	ssyncset.done @!p0 $0x0  }
0xa5: {  	[sflag:s19] =	ssyncadd.s32 @!p0 $0xFFFFFF88;
	s19 =	simm.s32 @!p0 $0xD  }
0xa6: {  	s12 =	sadd.s32 @!p0 s5, s12;
	_ =	swait.ge @!p0 [sflag:s19], $0x3C00  }
0xa7: {  	s12 =	sshll.u32 @!p0 s12, $0x4;
	[sflag:s19] =	ssyncset.done @!p0 $0x0  }
0xa8: {  	s12 =	sadd.s32 @!p0 s2, s12;
	[sflag:s19] =	ssyncadd.s32 @!p0 $0xFFFFC400;
	s19 =	simm.s32 @!p0 $0x200  }
0xa9: {  	[tilespmem:s19], [sflag:$0x5] =	stream.linear.gather @!p0 [hbm4b:s12+s22], $0x3C00, $0x38;
	[tilespmem:$0x1E200] =	vst v63  }
0xaa: {  	s19 =	simm.s32 @!p0 $0xF200  }
0xab: {  	[tilespmem:s19], [sflag:$0x9] =	stream.linear.gather @!p0 [hbm4b:s12+s22], $0x3C00, $0x38;
	[tilespmem:$0x1E200] =	vst v63  }
0xac: {  	_ =	swait.ge [sflag:s14], $0x3C00  }
0xad: {  	[sflag:s14] =	ssyncset.done $0x0  }
0xae: {  	[sflag:s14] =	ssyncadd.s32 $0xFFFFC400  }
0xaf: {  	_ =	swait.ge [sflag:s15], $0x3C00  }
0xb0: {  	[sflag:s15] =	ssyncset.done $0x0  }
0xb1: {  	s12 =	simm.s32 $0x0;
	[sflag:s15] =	ssyncadd.s32 $0xFFFFC400  }
0xb2: {  	v7 =	vld [tilespmem:s12+$0x16A00]  }
0xb3: {  	v11 =	vld [tilespmem:s12+$0x16A10]  }
0xb4: {  	v5 =	vld [tilespmem:s12+$0x16A20]  }
0xb5: {  	v4 =	vld [tilespmem:s12+$0x16A30]  }
0xb6: {  	v3 =	vld [tilespmem:s12+$0x16A40]  }
0xb7: {  	v2 =	vld [tilespmem:s12+$0x16A50]  }
0xb8: {  	v1 =	vld [tilespmem:s12+$0x16A60]  }
0xb9: {  	v0 =	vld [tilespmem:s12+$0x16A70]  }
0xba: {  	v12 =	vld [tilespmem:s12+$0x7A00]  }
0xbb: {  	v13 =	vld [tilespmem:s12+$0x7A10]  }
0xbc: {  	v10 =	vld [tilespmem:s12+$0x7A20]  }
0xbd: {  	v9 =	vld [tilespmem:s12+$0x7A30]  }
0xbe: {  	v8 =	vld [tilespmem:s12+$0x7A40]  }
0xbf: {  	v6 =	vld [tilespmem:s12+$0x7A50];
	v12 =	vadd.f32 v7, v12  }
0xc0: {  	s19 =	simm.s32 $0x200;
	v11 =	vadd.f32 v11, v13;
	v7 =	vld [tilespmem:s12+$0x7A60]  }
.LBB2_7:
0xc1: {  	s22 =	sshra.s32 s19, $0x2;
	p1 =	sne.s32 s19, $0xEE00;
	[tilespmem:s12+$0x7A00] =	vst v12;
	v5 =	vadd.f32 v5, v10;
	v10 =	vld [tilespmem:s12+$0x7A70]  }
0xc2: {  	v12 =	vld [tilespmem:s22+$0x16A00];
	[tilespmem:s12+$0x7A10] =	vst v11;
	v4 =	vadd.f32 v4, v9  }
0xc3: {  	v11 =	vld [tilespmem:s22+$0x16A10];
	[tilespmem:s12+$0x7A20] =	vst v5;
	v3 =	vadd.f32 v3, v8  }
0xc4: {  	v5 =	vld [tilespmem:s22+$0x16A20];
	[tilespmem:s12+$0x7A30] =	vst v4;
	v2 =	vadd.f32 v2, v6  }
0xc5: {  	v4 =	vld [tilespmem:s22+$0x16A30];
	[tilespmem:s12+$0x7A40] =	vst v3;
	v1 =	vadd.f32 v1, v7  }
0xc6: {  	v3 =	vld [tilespmem:s22+$0x16A40];
	[tilespmem:s12+$0x7A50] =	vst v2;
	v0 =	vadd.f32 v0, v10  }
0xc7: {  	v2 =	vld [tilespmem:s22+$0x16A50];
	[tilespmem:s12+$0x7A60] =	vst v1  }
0xc8: {  	v1 =	vld [tilespmem:s22+$0x16A60];
	[tilespmem:s12+$0x7A70] =	vst v0;
	s12 =	smov.u32 s22  }
0xc9: {  	v0 =	vld [tilespmem:s12+$0x16A70]  }
0xca: {  	v6 =	vld [tilespmem:s12+$0x7A00]  }
0xcb: {  	v7 =	vld [tilespmem:s12+$0x7A10]  }
.Ltmp2:
0xcc: {  	v10 =	vld [tilespmem:s12+$0x7A20];
	(pc) =	sbr.rel @p1 .LBB2_7-.Ltmp2, $4  }
0xcd: {  	v9 =	vld [tilespmem:s12+$0x7A30]  }
0xce: {  	v8 =	vld [tilespmem:s12+$0x7A40]  }
0xcf: {  	v12 =	vadd.f32 v12, v6;
	v6 =	vld [tilespmem:s12+$0x7A50]  }
0xd0: {  	s19 =	sadd.s32 $0x200, s19;
	v11 =	vadd.f32 v11, v7;
	v7 =	vld [tilespmem:s12+$0x7A60]  }
0xd1: {  	[tilespmem:s12+$0x7A00] =	vst v12;
	v5 =	vadd.f32 v5, v10;
	v10 =	vld [tilespmem:s12+$0x7A70]  }
0xd2: {  	[tilespmem:s12+$0x7A10] =	vst v11;
	v4 =	vadd.f32 v4, v9  }
0xd3: {  	[tilespmem:s12+$0x7A20] =	vst v5;
	v3 =	vadd.f32 v3, v8  }
0xd4: {  	s10 =	sadd.s32 @!p0 $0x2D0, s10;
	[tilespmem:s12+$0x7A30] =	vst v4;
	v2 =	vadd.f32 v2, v6  }
0xd5: {  	p1 =	slt.s32 @!p0 s10, s6;
	[tilespmem:s12+$0x7A40] =	vst v3;
	v1 =	vadd.f32 v1, v7  }
0xd6: {  	p1 =	por !p1, p0;
	[tilespmem:s12+$0x7A50] =	vst v2;
	v0 =	vadd.f32 v0, v10  }
0xd7: {  	s10 =	smov.u32 @p1 s6;
	[tilespmem:s12+$0x7A60] =	vst v1  }
0xd8: {  	s25 =	sadd.s32 s3, s13;
	s10 =	sshrl.u32 @!p0 s10, $0x3;
	[tilespmem:s12+$0x7A70] =	vst v0  }
0xd9: {  	[hbm4b:s25+s4] =	stream.linear.scatter [tilespmem:s24], [sflag:$0xF], $0x3C00, $0x38;
	[tilespmem:$0x1E200] =	vst v63  }
0xda: {  	s13 =	simm.s32 @!p0 $0x100;
	s10 =	sadd.s32 @!p0 s10, s8;
	s12 =	simm.s32 @!p0 $0x0  }
0xdb: {  	[tilespmem:s13], [sflag:$0x3] =	stream.linear.gather @!p0 [hbm4b:s10+s12], $0x78, $0x38;
	[tilespmem:$0x1E200] =	vst v63  }
0xdc: {  	s10 =	simm.s32 @!p0 $0x2  }
0xdd: {  	_ =	swait.ge @!p0 [sflag:s10], $0x78  }
0xde: {  	[sflag:s10] =	ssyncset.done @!p0 $0x0  }
0xdf: {  	[sflag:s10] =	ssyncadd.s32 @!p0 $0xFFFFFF88;
	s10 =	simm.s32 @!p0 $0xE  }
0xe0: {  	s11 =	sadd.s32 @!p0 s5, s11;
	_ =	swait.ge @!p0 [sflag:s10], $0x3C00  }
0xe1: {  	s11 =	sshll.u32 @!p0 s11, $0x4;
	[sflag:s10] =	ssyncset.done @!p0 $0x0  }
0xe2: {  	[sflag:s10] =	ssyncadd.s32 @!p0 $0xFFFFC400;
	s10 =	sadd.s32 @!p0 s2, s11;
	s11 =	simm.s32 @!p0 $0x3E00  }
0xe3: {  	[tilespmem:s11], [sflag:$0x6] =	stream.linear.gather @!p0 [hbm4b:s10+s12], $0x3C00, $0x38;
	[tilespmem:$0x1E200] =	vst v63  }
0xe4: {  	s11 =	simm.s32 @!p0 $0x12E00  }
0xe5: {  	[tilespmem:s11], [sflag:$0xA] =	stream.linear.gather @!p0 [hbm4b:s10+s12], $0x3C00, $0x38;
	[tilespmem:$0x1E200] =	vst v63  }
0xe6: {  	_ =	swait.ge [sflag:s18], $0x3C00  }
0xe7: {  	[sflag:s18] =	ssyncset.done $0x0  }
0xe8: {  	[sflag:s18] =	ssyncadd.s32 $0xFFFFC400  }
0xe9: {  	_ =	swait.ge [sflag:s21], $0x3C00  }
0xea: {  	[sflag:s21] =	ssyncset.done $0x0  }
0xeb: {  	s10 =	simm.s32 $0x0;
	[sflag:s21] =	ssyncadd.s32 $0xFFFFC400  }
0xec: {  	v7 =	vld [tilespmem:s10+$0x1A600]  }
0xed: {  	v11 =	vld [tilespmem:s10+$0x1A610]  }
0xee: {  	v5 =	vld [tilespmem:s10+$0x1A620]  }
0xef: {  	v4 =	vld [tilespmem:s10+$0x1A630]  }
0xf0: {  	v3 =	vld [tilespmem:s10+$0x1A640]  }
0xf1: {  	v2 =	vld [tilespmem:s10+$0x1A650]  }
0xf2: {  	v1 =	vld [tilespmem:s10+$0x1A660]  }
0xf3: {  	v0 =	vld [tilespmem:s10+$0x1A670]  }
0xf4: {  	v12 =	vld [tilespmem:s10+$0xB600]  }
0xf5: {  	v13 =	vld [tilespmem:s10+$0xB610]  }
0xf6: {  	v10 =	vld [tilespmem:s10+$0xB620]  }
0xf7: {  	v9 =	vld [tilespmem:s10+$0xB630]  }
0xf8: {  	v8 =	vld [tilespmem:s10+$0xB640]  }
0xf9: {  	v6 =	vld [tilespmem:s10+$0xB650];
	v12 =	vadd.f32 v7, v12  }
0xfa: {  	s11 =	simm.s32 $0x200;
	v11 =	vadd.f32 v11, v13;
	v7 =	vld [tilespmem:s10+$0xB660]  }
.LBB2_9:
0xfb: {  	s12 =	sshra.s32 s11, $0x2;
	p0 =	sne.s32 s11, $0xEE00;
	[tilespmem:s10+$0xB600] =	vst v12;
	v5 =	vadd.f32 v5, v10;
	v10 =	vld [tilespmem:s10+$0xB670]  }
0xfc: {  	v12 =	vld [tilespmem:s12+$0x1A600];
	[tilespmem:s10+$0xB610] =	vst v11;
	v4 =	vadd.f32 v4, v9  }
0xfd: {  	v11 =	vld [tilespmem:s12+$0x1A610];
	[tilespmem:s10+$0xB620] =	vst v5;
	v3 =	vadd.f32 v3, v8  }
0xfe: {  	v5 =	vld [tilespmem:s12+$0x1A620];
	[tilespmem:s10+$0xB630] =	vst v4;
	v2 =	vadd.f32 v2, v6  }
0xff: {  	v4 =	vld [tilespmem:s12+$0x1A630];
	[tilespmem:s10+$0xB640] =	vst v3;
	v1 =	vadd.f32 v1, v7  }
0x100: {  	v3 =	vld [tilespmem:s12+$0x1A640];
	[tilespmem:s10+$0xB650] =	vst v2;
	v0 =	vadd.f32 v0, v10  }
0x101: {  	v2 =	vld [tilespmem:s12+$0x1A650];
	[tilespmem:s10+$0xB660] =	vst v1  }
0x102: {  	v1 =	vld [tilespmem:s12+$0x1A660];
	[tilespmem:s10+$0xB670] =	vst v0;
	s10 =	smov.u32 s12  }
0x103: {  	v0 =	vld [tilespmem:s10+$0x1A670]  }
0x104: {  	v6 =	vld [tilespmem:s10+$0xB600]  }
0x105: {  	v7 =	vld [tilespmem:s10+$0xB610]  }
.Ltmp3:
0x106: {  	v10 =	vld [tilespmem:s10+$0xB620];
	(pc) =	sbr.rel @p0 .LBB2_9-.Ltmp3, $4  }
0x107: {  	v9 =	vld [tilespmem:s10+$0xB630]  }
0x108: {  	v8 =	vld [tilespmem:s10+$0xB640]  }
0x109: {  	v12 =	vadd.f32 v12, v6;
	v6 =	vld [tilespmem:s10+$0xB650]  }
0x10a: {  	s11 =	sadd.s32 $0x200, s11;
	v11 =	vadd.f32 v11, v7;
	v7 =	vld [tilespmem:s10+$0xB660]  }
0x10b: {  	[tilespmem:s10+$0xB600] =	vst v12;
	v5 =	vadd.f32 v5, v10;
	v63 =	vld [tilespmem:s10+$0xB670]  }
0x10c: {  	[tilespmem:s10+$0xB610] =	vst v11;
	v4 =	vadd.f32 v4, v9  }
0x10d: {  	s9 =	sadd.s32 $0x1, s9;
	[tilespmem:s10+$0xB620] =	vst v5;
	v3 =	vadd.f32 v3, v8  }
0x10e: {  	p0 =	sne.s32 s9, $0x29;
	[tilespmem:s10+$0xB630] =	vst v4;
	v2 =	vadd.f32 v2, v6  }
.Ltmp4:
0x10f: {  	[tilespmem:s10+$0xB640] =	vst v3;
	v1 =	vadd.f32 v1, v7;
	(pc) =	sbr.rel @p0 .LBB2_2-.Ltmp4, $4  }
0x110: {  	[tilespmem:s10+$0xB650] =	vst v2;
	v0 =	vadd.f32 v0, v63  }
0x111: {  	[tilespmem:s10+$0xB660] =	vst v1  }
0x112: {  	s25 =	sadd.s32 s3, s16;
	[tilespmem:s10+$0xB670] =	vst v0  }
0x113: {  	[hbm4b:s25+s4] =	stream.linear.scatter [tilespmem:s30], [sflag:$0x10], $0x3C00, $0x38;
	[tilespmem:$0x1E200] =	vst v63  }
0x114: {  	s9 =	simm.s32 $0xD  }
0x115: {  	_ =	swait.ge [sflag:s9], $0x3C00  }
0x116: {  	[sflag:s9] =	ssyncset.done $0x0  }
0x117: {  	s19 =	simm.s32 $0xE;
	[sflag:s9] =	ssyncadd.s32 $0xFFFFC400  }
0x118: {  	_ =	swait.ge [sflag:s19], $0x3C00  }
0x119: {  	[sflag:s19] =	ssyncset.done $0x0  }
0x11a: {  	s22 =	simm.s32 $0xF;
	[sflag:s19] =	ssyncadd.s32 $0xFFFFC400  }
0x11b: {  	_ =	swait.ge [sflag:s22], $0x3C00  }
0x11c: {  	[sflag:s22] =	ssyncset.done $0x0  }
0x11d: {  	s10 =	simm.s32 $0x10;
	[sflag:s22] =	ssyncadd.s32 $0xFFFFC400  }
0x11e: {  	_ =	swait.ge [sflag:s10], $0x3C00  }
0x11f: {  	s11 =	rddreg [dreg:$0x9]  }
0x120: {  	s25 =	rddreg [dreg:$0x8];
	s11 =	sadd.s32 $0x1, s11  }
0x121: {  	p0 =	sne.s32 s11, s25  }
.Ltmp5:
0x122: {  	_ = 	snop;
	(pc) =	sbr.rel @p0 .LBB2_1-.Ltmp5, $3  }
0x123: {  	_ =	sdelay $0x1  }
0x124: {  	[sflag:s10] =	ssyncset.done $0x0  }
0x125: {  	[sflag:s10] =	ssyncadd.s32 $0xFFFFC400  }
0x126: {  	_ =	sfence.sel $0x180000  }
0x127: {  	[bflag:$0x0] =	sbarrier.arrive $0xFFFF  }
0x128: {  	_ =	strace $0x90000047  }
0x129: {  	s0 =	stileid.u32;
	[bflag:$0x2] =	sbarrier.arrive $0xFFFF  }
0x12a: {  	p0 =	sne.s32 s0, $0x0;
	s0 =	rddreg [dreg:$0x3]  }
0x12b: {  	s0 =	sadd.s32 @!p0 $0x100000, s0  }
0x12c: {  	[sflag:s0] =	ssyncadd.tile.s32 @!p0 $0x1;
	_ =	shalt  }
.Lfunc_end2:
_tile_overlayer_lowered:
.L_overlay_start_2:
0x12d: {  	(tag) =	ssettag $0x2  }
0x12e: {  	s0 =	rddreg [dreg:$0x0];
	s2 =	stileid.u32  }
0x12f: {  	s1 =	rddreg [dreg:$0x1];
	p0 =	sne.s32 s2, $0x0  }
0x130: {  	s3 =	rddreg [dreg:$0x2];
	[bflag:$0x3] =	sbarrier.arrive $0xFFFF;
	s2 =	simm.s32 @!p0 $0x1C11  }
0x131: {  	[timem:s3], [sflag:s2] =	dma.local @!p0 [hbm:s0], s1  }
0x132: {  	s0 =	simm.s32 @!p0 $0x11  }
0x133: {  	_ =	swait.ge @!p0 [sflag:s0], s1  }
0x134: {  	s1 =	ssub.s32 @!p0 $0x0, s1;
	[sflag:s0] =	ssyncset.done @!p0 $0x0  }
0x135: {  	[sflag:s0] =	ssyncadd.s32 @!p0 s1  }
0x136: {  	[bflag:$0x3] =	sbarrier.arrive $0xFFFF  }
0x137: {  	_ =	shalt  }

</sc_bundles>
